<compile_context>
chip_gen: v7x
topology: tpu7x:2x2x1
jax: 0.10.2.dev20260603
libtpu: 0.0.44.dev20260713+nightly
codegen_flags: <defaults>
</compile_context>

<pallas_src>
import functools

import jax
import jax.numpy as jnp
from jax import lax
from jax.experimental import pallas as pl
from jax.experimental.pallas import tpu as pltpu
from jax.experimental.pallas import tpu_sc as plsc

E = 64
N_GROUP = 8
TOPK_GROUP = 3
TOP_K = 8
GROUP_SIZE = E // N_GROUP

NC = 2
NS = 16
NW = NC * NS


def _logits_block(x_ref, w_ref, o_ref):
    o_ref[...] = jax.lax.dot_general(
        x_ref[...], w_ref[...], (((1,), (1,)), ((), ())),
        preferred_element_type=jnp.float32)


def _tc_logits(xs, W):
    t, h = xs.shape
    tb = 4096
    return pl.pallas_call(
        _logits_block,
        grid=(t // tb,),
        in_specs=[
            pl.BlockSpec((tb, h), lambda i: (i, 0)),
            pl.BlockSpec((E, h), lambda i: (0, 0)),
        ],
        out_specs=pl.BlockSpec((tb, E), lambda i: (i, 0)),
        out_shape=jax.ShapeDtypeStruct((t, E), jnp.float32),
    )(xs, W)


def _make_sc_router(t):
    tpw = t // NW
    npair = tpw // 2
    mesh = plsc.VectorSubcoreMesh(core_axis_name="c", subcore_axis_name="s")

    @functools.partial(
        pl.kernel,
        out_type=[
            jax.ShapeDtypeStruct((t // 2, 16), jnp.int32),
            jax.ShapeDtypeStruct((t // 2, 16), jnp.float32),
        ],
        mesh=mesh,
        scratch_types=[
            pltpu.VMEM((tpw, E), jnp.float32),
            pltpu.VMEM((npair, 16), jnp.int32),
            pltpu.VMEM((npair, 16), jnp.float32),
        ],
        compiler_params=pltpu.CompilerParams(needs_layout_passes=False, use_tc_tiling_on_sc=False),
    )
    def router(lt_hbm, idx_hbm, wgt_hbm, lt_v, idx_v, wgt_v):
        wid = lax.axis_index("s") * NC + lax.axis_index("c")
        base = wid * tpw
        pltpu.sync_copy(lt_hbm.at[pl.ds(base, tpw)], lt_v)

        iota = lax.iota(jnp.int32, 16)
        ninf = jnp.float32(-jnp.inf)
        lo8 = iota < 8
        idx8 = iota & 7
        pick = (iota & 1) * 8
        zeros = iota & 0
        ones = zeros + 1
        twos = zeros + 2
        gid_lane = jnp.where(lo8, 0, 1)

        def sortkv(k, v):
            nk, sv = lax.sort((0.0 - k, v), dimension=0, num_keys=1)
            return 0.0 - nk, sv

        _gdn = lax.GatherDimensionNumbers(
            offset_dims=(), collapsed_slice_dims=(0,), start_index_map=(0,))

        def tk(v, i):
            return lax.gather(
                v, i[:, None], _gdn, slice_sizes=(1,),
                mode=lax.GatherScatterMode.PROMISE_IN_BOUNDS)

        def halfmax(v):
            v = jnp.maximum(v, tk(v, iota ^ 4))
            v = jnp.maximum(v, tk(v, iota ^ 2))
            return jnp.maximum(v, tk(v, iota ^ 1))

        def route_one(tok):
            va = lt_v[tok, pl.ds(0, 16)]
            vb = lt_v[tok, pl.ds(16, 16)]
            vc = lt_v[tok, pl.ds(32, 16)]
            vd = lt_v[tok, pl.ds(48, 16)]

            ga, gb = halfmax(va), halfmax(vb)
            gc, gd = halfmax(vc), halfmax(vd)

            g8 = jnp.where(iota < 2, tk(ga, pick),
                           jnp.where(iota < 4, tk(gb, pick),
                                     jnp.where(iota < 6, tk(gc, pick),
                                               tk(gd, pick))))
            g8 = jnp.where(lo8, g8, ninf)

            gk, gv = sortkv(g8, iota)
            m0 = tk(gk, zeros)
            b0 = tk(gv, zeros)
            b1 = tk(gv, ones)
            b2 = tk(gv, twos)

            def masked(v, gbase):
                gid = gid_lane + gbase
                keep = (gid == b0) | (gid == b1) | (gid == b2)
                return jnp.where(keep, v, ninf)

            ka, vka = sortkv(masked(va, 0), iota)
            kb, vkb = sortkv(masked(vb, 2), iota + 16)
            kc, vkc = sortkv(masked(vc, 4), iota + 32)
            kd, vkd = sortkv(masked(vd, 6), iota + 48)

            kab = jnp.where(lo8, ka, tk(kb, idx8))
            vab = jnp.where(lo8, vka, tk(vkb, idx8))
            kab, vab = sortkv(kab, vab)
            kcd = jnp.where(lo8, kc, tk(kd, idx8))
            vcd = jnp.where(lo8, vkc, tk(vkd, idx8))
            kcd, vcd = sortkv(kcd, vcd)

            kf = jnp.where(lo8, kab, tk(kcd, idx8))
            vf = jnp.where(lo8, vab, tk(vcd, idx8))
            kf, vf = sortkv(kf, vf)

            s = (jnp.exp(va - m0) + jnp.exp(vb - m0)
                 + jnp.exp(vc - m0) + jnp.exp(vd - m0))
            s = s + tk(s, iota ^ 8)
            s = s + tk(s, iota ^ 4)
            s = s + tk(s, iota ^ 2)
            s = s + tk(s, iota ^ 1)
            w = jnp.exp(kf - m0) * (1.0 / s)
            return vf, w

        def body(p, carry):
            i0, w0 = route_one(2 * p)
            i1, w1 = route_one(2 * p + 1)
            idx_v[p, :] = jnp.where(lo8, i0, tk(i1, idx8))
            wgt_v[p, :] = jnp.where(lo8, w0, tk(w1, idx8))
            return carry

        lax.fori_loop(0, npair, body, 0)

        obase = wid * npair
        pltpu.sync_copy(idx_v, idx_hbm.at[pl.ds(obase, npair)])
        pltpu.sync_copy(wgt_v, wgt_hbm.at[pl.ds(obase, npair)])

    return router


@functools.partial(jax.jit, static_argnames=())
def kernel(x, W):
    b, s, h = x.shape
    t = b * s
    xs = x.reshape(t, h)
    lt = _tc_logits(xs, W)
    idx2, wgt2 = _make_sc_router(t)(lt)
    return idx2.reshape(t, TOP_K), wgt2.reshape(t, TOP_K)

# --- scband reference (transcript-rebuilt; emitter-appended) ---
"""Pipeline reference for scband-mo-egate-50749333570099 (READ-ONLY COPY).

The authoritative reference and input builder live on the scoring server;
editing this copy changes nothing except your own understanding.
"""

import jax, jax.numpy as jnp
import numpy as np

B, S, H = 4, 8192, 768
E = 64
TOP_K = 8
N_GROUP = 8
TOPK_GROUP = 3


def setup_inputs(seed: int = 0) -> dict:
    key = jax.random.key(seed)
    k1, k2 = jax.random.split(key)
    x = jax.random.normal(k1, (B, S, H), dtype=jnp.float32)
    # kaiming_uniform_(a=sqrt(5)) on (E, H): bound = sqrt(6 / ((1 + 5) * fan_in)) = 1/sqrt(H)
    limit = float(1.0 / np.sqrt(H))
    W = jax.random.uniform(k2, (E, H), dtype=jnp.float32, minval=-limit, maxval=limit)
    return {"x": x, "W": W}


def reference(x, W):
    batch, seq_len, h = x.shape
    T = batch * seq_len
    hidden_states = x.reshape(T, h).astype(jnp.float32)
    logits = hidden_states @ W.astype(jnp.float32).T
    scores = jax.nn.softmax(logits, axis=-1)
    # group_limited_greedy routing
    group_scores = scores.reshape(T, N_GROUP, -1).max(axis=-1)
    _, group_idx = jax.lax.top_k(group_scores, TOPK_GROUP)
    group_mask = jnp.zeros_like(group_scores).at[jnp.arange(T)[:, None], group_idx].set(1.0)
    score_mask = jnp.broadcast_to(group_mask[:, :, None], (T, N_GROUP, E // N_GROUP)).reshape(T, E)
    tmp_scores = jnp.where(score_mask.astype(bool), scores, 0.0)
    topk_weight, topk_idx = jax.lax.top_k(tmp_scores, TOP_K)
    return (topk_idx, topk_weight)

if __name__ == "__main__":
    import jax
    _d = setup_inputs()
    print(jax.jit(kernel)(*tuple(_d.values())))

</pallas_src>

<mosaic_0001>
#map = affine_map<(d0, d1) -> (0, 0)>
module attributes {stable_mosaic.version = 14 : i64} {
  func.func @router(%arg0: i32, %arg1: i32, %arg2: memref<32768x64xf32, #tpu.memory_space<hbm>>, %arg3: memref<16384x16xi32, #tpu.memory_space<hbm>>, %arg4: memref<16384x16xf32, #tpu.memory_space<hbm>>, %arg5: memref<1024x64xf32, #tpu.memory_space<vmem>>, %arg6: memref<512x16xi32, #tpu.memory_space<vmem>>, %arg7: memref<512x16xf32, #tpu.memory_space<vmem>>) attributes {dimension_semantics = [#tpu.dimension_semantics<core_parallel>, #tpu.dimension_semantics<subcore_parallel>], iteration_bounds = array<i64: 2, 16>, scalar_prefetch = 0 : i64, scratch_operands = 3 : i64, tpu.core_type = #tpu.core_type<sc_vector_subcore>, window_params = [{transform_indices = #map}, {transform_indices = #map}, {transform_indices = #map}]} {
    %mul3A = arith.constant 2 : i32
    %mul3A_0 = arith.muli %arg1, %mul3A : i32
    %add3A = arith.addi %mul3A_0, %arg0 : i32
    %mul3A_1 = arith.constant 1024 : i32
    %mul3A_2 = arith.muli %add3A, %mul3A_1 : i32
    "tpu.region"() ({
      %run_scoped3A = tpu.sem_alloc : memref<!tpu.dma_semaphore, #tpu.memory_space<semaphore_mem>>
      %dma_start3A = arith.constant 0 : i32
      %dma_start3A_32 = tpu.memref_slice %arg2[%mul3A_2, %dma_start3A] : memref<32768x64xf32, #tpu.memory_space<hbm>> -> memref<1024x64xf32, #tpu.memory_space<hbm>>
      %dma_start3A_33 = arith.constant 0 : i32
      %dma_start3A_34 = tpu.memref_slice %arg2[%mul3A_2, %dma_start3A_33] : memref<32768x64xf32, #tpu.memory_space<hbm>> -> memref<1024x64xf32, #tpu.memory_space<hbm>>
      tpu.enqueue_dma source(%dma_start3A_34 : memref<1024x64xf32, #tpu.memory_space<hbm>>) target(%arg5 : memref<1024x64xf32, #tpu.memory_space<vmem>>) target_semaphore(%run_scoped3A : memref<!tpu.dma_semaphore, #tpu.memory_space<semaphore_mem>>)
      %dma_wait3A = arith.constant 0 : i32
      %dma_wait3A_35 = tpu.memref_slice %arg2[%mul3A_2, %dma_wait3A] : memref<32768x64xf32, #tpu.memory_space<hbm>> -> memref<1024x64xf32, #tpu.memory_space<hbm>>
      %dma_wait3A_36 = arith.constant 0 : i32
      %dma_wait3A_37 = tpu.memref_slice %arg2[%mul3A_2, %dma_wait3A_36] : memref<32768x64xf32, #tpu.memory_space<hbm>> -> memref<1024x64xf32, #tpu.memory_space<hbm>>
      tpu.wait_dma2 semaphore(%run_scoped3A : memref<!tpu.dma_semaphore, #tpu.memory_space<semaphore_mem>>) src(%dma_wait3A_37 : memref<1024x64xf32, #tpu.memory_space<hbm>>) dst(%arg5 : memref<1024x64xf32, #tpu.memory_space<vmem>>)
      tpu.yield
    }) : () -> ()
    %iota3A = tpu.iota {dimensions = array<i32: 0>} : vector<16xi32>
    %lt3A = arith.constant 8 : i32
    %lt3A_3 = vector.broadcast %lt3A : i32 to vector<16xi32>
    %lt3A_4 = arith.cmpi slt, %iota3A, %lt3A_3 : vector<16xi32>
    %and3A = arith.constant 7 : i32
    %and3A_5 = vector.broadcast %and3A : i32 to vector<16xi32>
    %and3A_6 = arith.andi %iota3A, %and3A_5 : vector<16xi32>
    %and3A_7 = arith.constant 1 : i32
    %and3A_8 = vector.broadcast %and3A_7 : i32 to vector<16xi32>
    %and3A_9 = arith.andi %iota3A, %and3A_8 : vector<16xi32>
    %mul3A_10 = arith.constant 8 : i32
    %mul3A_11 = vector.broadcast %mul3A_10 : i32 to vector<16xi32>
    %mul3A_12 = arith.muli %and3A_9, %mul3A_11 : vector<16xi32>
    %and3A_13 = arith.constant 0 : i32
    %and3A_14 = vector.broadcast %and3A_13 : i32 to vector<16xi32>
    %and3A_15 = arith.andi %iota3A, %and3A_14 : vector<16xi32>
    %add3A_16 = arith.constant 1 : i32
    %add3A_17 = vector.broadcast %add3A_16 : i32 to vector<16xi32>
    %add3A_18 = arith.addi %and3A_15, %add3A_17 : vector<16xi32>
    %add3A_19 = arith.constant 2 : i32
    %add3A_20 = vector.broadcast %add3A_19 : i32 to vector<16xi32>
    %add3A_21 = arith.addi %and3A_15, %add3A_20 : vector<16xi32>
    %jit3A = arith.constant 0 : i32
    %jit3A_22 = arith.constant 1 : i32
    %broadcast_in_dim3A = vector.broadcast %jit3A : i32 to vector<16xi32>
    %broadcast_in_dim3A_23 = vector.broadcast %jit3A_22 : i32 to vector<16xi32>
    %select_n3A = arith.select %lt3A_4, %broadcast_in_dim3A, %broadcast_in_dim3A_23 : vector<16xi1>, vector<16xi32>
    %scan3A = arith.constant 0 : i32
    %scan3A_24 = arith.constant 0xFF800000 : f32
    %scan3A_25 = arith.constant 0 : i32
    %scan3A_26 = arith.constant 512 : i32
    %scan3A_27 = arith.addi %scan3A_25, %scan3A_26 : i32
    %scan3A_28 = arith.constant 1 : i32
    scf.for %scan3A_32 = %scan3A_25 to %scan3A_27 step %scan3A_28  : i32 {
      %mul3A_33 = arith.constant 2 : i32
      %mul3A_34 = arith.muli %mul3A_33, %scan3A_32 : i32
      %get3A = arith.index_cast %mul3A_34 : i32 to index
      %get3A_35 = arith.constant 0 : index
      %get3A_36 = tpu.vector_load %arg5[%get3A, %get3A_35] {strides = array<i32>} : memref<1024x64xf32, #tpu.memory_space<vmem>>, vector<16xf32>,
      %get3A_37 = arith.index_cast %mul3A_34 : i32 to index
      %get3A_38 = arith.constant 16 : index
      %get3A_39 = tpu.vector_load %arg5[%get3A_37, %get3A_38] {strides = array<i32>} : memref<1024x64xf32, #tpu.memory_space<vmem>>, vector<16xf32>,
      %get3A_40 = arith.index_cast %mul3A_34 : i32 to index
      %get3A_41 = arith.constant 32 : index
      %get3A_42 = tpu.vector_load %arg5[%get3A_40, %get3A_41] {strides = array<i32>} : memref<1024x64xf32, #tpu.memory_space<vmem>>, vector<16xf32>,
      %get3A_43 = arith.index_cast %mul3A_34 : i32 to index
      %get3A_44 = arith.constant 48 : index
      %get3A_45 = tpu.vector_load %arg5[%get3A_43, %get3A_44] {strides = array<i32>} : memref<1024x64xf32, #tpu.memory_space<vmem>>, vector<16xf32>,
      %xor3A = arith.constant 4 : i32
      %xor3A_46 = vector.broadcast %xor3A : i32 to vector<16xi32>
      %xor3A_47 = arith.xori %iota3A, %xor3A_46 : vector<16xi32>
      %broadcast_in_dim3A_48 = vector.shape_cast %xor3A_47 : vector<16xi32> to vector<16x1xi32>
      %gather3A = vector.shape_cast %broadcast_in_dim3A_48 : vector<16x1xi32> to vector<16xi32>
      %gather3A_49 = tpu.dynamic_gather %get3A_36[%gather3A] in [0] : vector<16xf32>, vector<16xi32> -> vector<16xf32>
      %max3A = arith.maximumf %get3A_36, %gather3A_49 : vector<16xf32>
      %xor3A_50 = arith.constant 2 : i32
      %xor3A_51 = vector.broadcast %xor3A_50 : i32 to vector<16xi32>
      %xor3A_52 = arith.xori %iota3A, %xor3A_51 : vector<16xi32>
      %broadcast_in_dim3A_53 = vector.shape_cast %xor3A_52 : vector<16xi32> to vector<16x1xi32>
      %gather3A_54 = vector.shape_cast %broadcast_in_dim3A_53 : vector<16x1xi32> to vector<16xi32>
      %gather3A_55 = tpu.dynamic_gather %max3A[%gather3A_54] in [0] : vector<16xf32>, vector<16xi32> -> vector<16xf32>
      %max3A_56 = arith.maximumf %max3A, %gather3A_55 : vector<16xf32>
      %xor3A_57 = arith.constant 1 : i32
      %xor3A_58 = vector.broadcast %xor3A_57 : i32 to vector<16xi32>
      %xor3A_59 = arith.xori %iota3A, %xor3A_58 : vector<16xi32>
      %broadcast_in_dim3A_60 = vector.shape_cast %xor3A_59 : vector<16xi32> to vector<16x1xi32>
      %gather3A_61 = vector.shape_cast %broadcast_in_dim3A_60 : vector<16x1xi32> to vector<16xi32>
      %gather3A_62 = tpu.dynamic_gather %max3A_56[%gather3A_61] in [0] : vector<16xf32>, vector<16xi32> -> vector<16xf32>
      %max3A_63 = arith.maximumf %max3A_56, %gather3A_62 : vector<16xf32>
      %xor3A_64 = arith.constant 4 : i32
      %xor3A_65 = vector.broadcast %xor3A_64 : i32 to vector<16xi32>
      %xor3A_66 = arith.xori %iota3A, %xor3A_65 : vector<16xi32>
      %broadcast_in_dim3A_67 = vector.shape_cast %xor3A_66 : vector<16xi32> to vector<16x1xi32>
      %gather3A_68 = vector.shape_cast %broadcast_in_dim3A_67 : vector<16x1xi32> to vector<16xi32>
      %gather3A_69 = tpu.dynamic_gather %get3A_39[%gather3A_68] in [0] : vector<16xf32>, vector<16xi32> -> vector<16xf32>
      %max3A_70 = arith.maximumf %get3A_39, %gather3A_69 : vector<16xf32>
      %xor3A_71 = arith.constant 2 : i32
      %xor3A_72 = vector.broadcast %xor3A_71 : i32 to vector<16xi32>
      %xor3A_73 = arith.xori %iota3A, %xor3A_72 : vector<16xi32>
      %broadcast_in_dim3A_74 = vector.shape_cast %xor3A_73 : vector<16xi32> to vector<16x1xi32>
      %gather3A_75 = vector.shape_cast %broadcast_in_dim3A_74 : vector<16x1xi32> to vector<16xi32>
      %gather3A_76 = tpu.dynamic_gather %max3A_70[%gather3A_75] in [0] : vector<16xf32>, vector<16xi32> -> vector<16xf32>
      %max3A_77 = arith.maximumf %max3A_70, %gather3A_76 : vector<16xf32>
      %xor3A_78 = arith.constant 1 : i32
      %xor3A_79 = vector.broadcast %xor3A_78 : i32 to vector<16xi32>
      %xor3A_80 = arith.xori %iota3A, %xor3A_79 : vector<16xi32>
      %broadcast_in_dim3A_81 = vector.shape_cast %xor3A_80 : vector<16xi32> to vector<16x1xi32>
      %gather3A_82 = vector.shape_cast %broadcast_in_dim3A_81 : vector<16x1xi32> to vector<16xi32>
      %gather3A_83 = tpu.dynamic_gather %max3A_77[%gather3A_82] in [0] : vector<16xf32>, vector<16xi32> -> vector<16xf32>
      %max3A_84 = arith.maximumf %max3A_77, %gather3A_83 : vector<16xf32>
      %xor3A_85 = arith.constant 4 : i32
      %xor3A_86 = vector.broadcast %xor3A_85 : i32 to vector<16xi32>
      %xor3A_87 = arith.xori %iota3A, %xor3A_86 : vector<16xi32>
      %broadcast_in_dim3A_88 = vector.shape_cast %xor3A_87 : vector<16xi32> to vector<16x1xi32>
      %gather3A_89 = vector.shape_cast %broadcast_in_dim3A_88 : vector<16x1xi32> to vector<16xi32>
      %gather3A_90 = tpu.dynamic_gather %get3A_42[%gather3A_89] in [0] : vector<16xf32>, vector<16xi32> -> vector<16xf32>
      %max3A_91 = arith.maximumf %get3A_42, %gather3A_90 : vector<16xf32>
      %xor3A_92 = arith.constant 2 : i32
      %xor3A_93 = vector.broadcast %xor3A_92 : i32 to vector<16xi32>
      %xor3A_94 = arith.xori %iota3A, %xor3A_93 : vector<16xi32>
      %broadcast_in_dim3A_95 = vector.shape_cast %xor3A_94 : vector<16xi32> to vector<16x1xi32>
      %gather3A_96 = vector.shape_cast %broadcast_in_dim3A_95 : vector<16x1xi32> to vector<16xi32>
      %gather3A_97 = tpu.dynamic_gather %max3A_91[%gather3A_96] in [0] : vector<16xf32>, vector<16xi32> -> vector<16xf32>
      %max3A_98 = arith.maximumf %max3A_91, %gather3A_97 : vector<16xf32>
      %xor3A_99 = arith.constant 1 : i32
      %xor3A_100 = vector.broadcast %xor3A_99 : i32 to vector<16xi32>
      %xor3A_101 = arith.xori %iota3A, %xor3A_100 : vector<16xi32>
      %broadcast_in_dim3A_102 = vector.shape_cast %xor3A_101 : vector<16xi32> to vector<16x1xi32>
      %gather3A_103 = vector.shape_cast %broadcast_in_dim3A_102 : vector<16x1xi32> to vector<16xi32>
      %gather3A_104 = tpu.dynamic_gather %max3A_98[%gather3A_103] in [0] : vector<16xf32>, vector<16xi32> -> vector<16xf32>
      %max3A_105 = arith.maximumf %max3A_98, %gather3A_104 : vector<16xf32>
      %xor3A_106 = arith.constant 4 : i32
      %xor3A_107 = vector.broadcast %xor3A_106 : i32 to vector<16xi32>
      %xor3A_108 = arith.xori %iota3A, %xor3A_107 : vector<16xi32>
      %broadcast_in_dim3A_109 = vector.shape_cast %xor3A_108 : vector<16xi32> to vector<16x1xi32>
      %gather3A_110 = vector.shape_cast %broadcast_in_dim3A_109 : vector<16x1xi32> to vector<16xi32>
      %gather3A_111 = tpu.dynamic_gather %get3A_45[%gather3A_110] in [0] : vector<16xf32>, vector<16xi32> -> vector<16xf32>
      %max3A_112 = arith.maximumf %get3A_45, %gather3A_111 : vector<16xf32>
      %xor3A_113 = arith.constant 2 : i32
      %xor3A_114 = vector.broadcast %xor3A_113 : i32 to vector<16xi32>
      %xor3A_115 = arith.xori %iota3A, %xor3A_114 : vector<16xi32>
      %broadcast_in_dim3A_116 = vector.shape_cast %xor3A_115 : vector<16xi32> to vector<16x1xi32>
      %gather3A_117 = vector.shape_cast %broadcast_in_dim3A_116 : vector<16x1xi32> to vector<16xi32>
      %gather3A_118 = tpu.dynamic_gather %max3A_112[%gather3A_117] in [0] : vector<16xf32>, vector<16xi32> -> vector<16xf32>
      %max3A_119 = arith.maximumf %max3A_112, %gather3A_118 : vector<16xf32>
      %xor3A_120 = arith.constant 1 : i32
      %xor3A_121 = vector.broadcast %xor3A_120 : i32 to vector<16xi32>
      %xor3A_122 = arith.xori %iota3A, %xor3A_121 : vector<16xi32>
      %broadcast_in_dim3A_123 = vector.shape_cast %xor3A_122 : vector<16xi32> to vector<16x1xi32>
      %gather3A_124 = vector.shape_cast %broadcast_in_dim3A_123 : vector<16x1xi32> to vector<16xi32>
      %gather3A_125 = tpu.dynamic_gather %max3A_119[%gather3A_124] in [0] : vector<16xf32>, vector<16xi32> -> vector<16xf32>
      %max3A_126 = arith.maximumf %max3A_119, %gather3A_125 : vector<16xf32>
      %lt3A_127 = arith.constant 2 : i32
      %lt3A_128 = vector.broadcast %lt3A_127 : i32 to vector<16xi32>
      %lt3A_129 = arith.cmpi slt, %iota3A, %lt3A_128 : vector<16xi32>
      %broadcast_in_dim3A_130 = vector.shape_cast %mul3A_12 : vector<16xi32> to vector<16x1xi32>
      %gather3A_131 = vector.shape_cast %broadcast_in_dim3A_130 : vector<16x1xi32> to vector<16xi32>
      %gather3A_132 = tpu.dynamic_gather %max3A_63[%gather3A_131] in [0] : vector<16xf32>, vector<16xi32> -> vector<16xf32>
      %lt3A_133 = arith.constant 4 : i32
      %lt3A_134 = vector.broadcast %lt3A_133 : i32 to vector<16xi32>
      %lt3A_135 = arith.cmpi slt, %iota3A, %lt3A_134 : vector<16xi32>
      %broadcast_in_dim3A_136 = vector.shape_cast %mul3A_12 : vector<16xi32> to vector<16x1xi32>
      %gather3A_137 = vector.shape_cast %broadcast_in_dim3A_136 : vector<16x1xi32> to vector<16xi32>
      %gather3A_138 = tpu.dynamic_gather %max3A_84[%gather3A_137] in [0] : vector<16xf32>, vector<16xi32> -> vector<16xf32>
      %lt3A_139 = arith.constant 6 : i32
      %lt3A_140 = vector.broadcast %lt3A_139 : i32 to vector<16xi32>
      %lt3A_141 = arith.cmpi slt, %iota3A, %lt3A_140 : vector<16xi32>
      %broadcast_in_dim3A_142 = vector.shape_cast %mul3A_12 : vector<16xi32> to vector<16x1xi32>
      %gather3A_143 = vector.shape_cast %broadcast_in_dim3A_142 : vector<16x1xi32> to vector<16xi32>
      %gather3A_144 = tpu.dynamic_gather %max3A_105[%gather3A_143] in [0] : vector<16xf32>, vector<16xi32> -> vector<16xf32>
      %broadcast_in_dim3A_145 = vector.shape_cast %mul3A_12 : vector<16xi32> to vector<16x1xi32>
      %gather3A_146 = vector.shape_cast %broadcast_in_dim3A_145 : vector<16x1xi32> to vector<16xi32>
      %gather3A_147 = tpu.dynamic_gather %max3A_126[%gather3A_146] in [0] : vector<16xf32>, vector<16xi32> -> vector<16xf32>
      %select_n3A_148 = arith.select %lt3A_141, %gather3A_144, %gather3A_147 : vector<16xi1>, vector<16xf32>
      %select_n3A_149 = arith.select %lt3A_135, %gather3A_138, %select_n3A_148 : vector<16xi1>, vector<16xf32>
      %select_n3A_150 = arith.select %lt3A_129, %gather3A_132, %select_n3A_149 : vector<16xi1>, vector<16xf32>
      %broadcast_in_dim3A_151 = vector.broadcast %scan3A_24 : f32 to vector<16xf32>
      %select_n3A_152 = arith.select %lt3A_4, %select_n3A_150, %broadcast_in_dim3A_151 : vector<16xi1>, vector<16xf32>
      %sub3A = arith.constant 0.000000e+00 : f32
      %sub3A_153 = vector.broadcast %sub3A : f32 to vector<16xf32>
      %sub3A_154 = arith.subf %sub3A_153, %select_n3A_152 : vector<16xf32>
      %sort3A = arith.constant dense<true> : vector<16xi1>
      %sort3A_155, %sort3A_156, %sort3A_157 = tpu.sort %sub3A_154, %iota3A masked %sort3A : (vector<16xf32>, vector<16xi32>, vector<16xi1>) -> (vector<16xi1>, vector<16xf32>, vector<16xi32>)
      %sub3A_158 = arith.constant 0.000000e+00 : f32
      %sub3A_159 = vector.broadcast %sub3A_158 : f32 to vector<16xf32>
      %sub3A_160 = arith.subf %sub3A_159, %sort3A_156 : vector<16xf32>
      %broadcast_in_dim3A_161 = vector.shape_cast %and3A_15 : vector<16xi32> to vector<16x1xi32>
      %gather3A_162 = vector.shape_cast %broadcast_in_dim3A_161 : vector<16x1xi32> to vector<16xi32>
      %gather3A_163 = tpu.dynamic_gather %sub3A_160[%gather3A_162] in [0] : vector<16xf32>, vector<16xi32> -> vector<16xf32>
      %broadcast_in_dim3A_164 = vector.shape_cast %and3A_15 : vector<16xi32> to vector<16x1xi32>
      %gather3A_165 = vector.shape_cast %broadcast_in_dim3A_164 : vector<16x1xi32> to vector<16xi32>
      %gather3A_166 = tpu.dynamic_gather %sort3A_157[%gather3A_165] in [0] : vector<16xi32>, vector<16xi32> -> vector<16xi32>
      %broadcast_in_dim3A_167 = vector.shape_cast %add3A_18 : vector<16xi32> to vector<16x1xi32>
      %gather3A_168 = vector.shape_cast %broadcast_in_dim3A_167 : vector<16x1xi32> to vector<16xi32>
      %gather3A_169 = tpu.dynamic_gather %sort3A_157[%gather3A_168] in [0] : vector<16xi32>, vector<16xi32> -> vector<16xi32>
      %broadcast_in_dim3A_170 = vector.shape_cast %add3A_21 : vector<16xi32> to vector<16x1xi32>
      %gather3A_171 = vector.shape_cast %broadcast_in_dim3A_170 : vector<16x1xi32> to vector<16xi32>
      %gather3A_172 = tpu.dynamic_gather %sort3A_157[%gather3A_171] in [0] : vector<16xi32>, vector<16xi32> -> vector<16xi32>
      %add3A_173 = arith.constant 0 : i32
      %add3A_174 = vector.broadcast %add3A_173 : i32 to vector<16xi32>
      %add3A_175 = arith.addi %select_n3A, %add3A_174 : vector<16xi32>
      %eq3A = arith.cmpi eq, %add3A_175, %gather3A_166 : vector<16xi32>
      %eq3A_176 = arith.cmpi eq, %add3A_175, %gather3A_169 : vector<16xi32>
      %or3A = arith.ori %eq3A, %eq3A_176 : vector<16xi1>
      %eq3A_177 = arith.cmpi eq, %add3A_175, %gather3A_172 : vector<16xi32>
      %or3A_178 = arith.ori %or3A, %eq3A_177 : vector<16xi1>
      %broadcast_in_dim3A_179 = vector.broadcast %scan3A_24 : f32 to vector<16xf32>
      %select_n3A_180 = arith.select %or3A_178, %get3A_36, %broadcast_in_dim3A_179 : vector<16xi1>, vector<16xf32>
      %sub3A_181 = arith.constant 0.000000e+00 : f32
      %sub3A_182 = vector.broadcast %sub3A_181 : f32 to vector<16xf32>
      %sub3A_183 = arith.subf %sub3A_182, %select_n3A_180 : vector<16xf32>
      %sort3A_184 = arith.constant dense<true> : vector<16xi1>
      %sort3A_185, %sort3A_186, %sort3A_187 = tpu.sort %sub3A_183, %iota3A masked %sort3A_184 : (vector<16xf32>, vector<16xi32>, vector<16xi1>) -> (vector<16xi1>, vector<16xf32>, vector<16xi32>)
      %sub3A_188 = arith.constant 0.000000e+00 : f32
      %sub3A_189 = vector.broadcast %sub3A_188 : f32 to vector<16xf32>
      %sub3A_190 = arith.subf %sub3A_189, %sort3A_186 : vector<16xf32>
      %add3A_191 = arith.constant 2 : i32
      %add3A_192 = vector.broadcast %add3A_191 : i32 to vector<16xi32>
      %add3A_193 = arith.addi %select_n3A, %add3A_192 : vector<16xi32>
      %eq3A_194 = arith.cmpi eq, %add3A_193, %gather3A_166 : vector<16xi32>
      %eq3A_195 = arith.cmpi eq, %add3A_193, %gather3A_169 : vector<16xi32>
      %or3A_196 = arith.ori %eq3A_194, %eq3A_195 : vector<16xi1>
      %eq3A_197 = arith.cmpi eq, %add3A_193, %gather3A_172 : vector<16xi32>
      %or3A_198 = arith.ori %or3A_196, %eq3A_197 : vector<16xi1>
      %broadcast_in_dim3A_199 = vector.broadcast %scan3A_24 : f32 to vector<16xf32>
      %select_n3A_200 = arith.select %or3A_198, %get3A_39, %broadcast_in_dim3A_199 : vector<16xi1>, vector<16xf32>
      %add3A_201 = arith.constant 16 : i32
      %add3A_202 = vector.broadcast %add3A_201 : i32 to vector<16xi32>
      %add3A_203 = arith.addi %iota3A, %add3A_202 : vector<16xi32>
      %sub3A_204 = arith.constant 0.000000e+00 : f32
      %sub3A_205 = vector.broadcast %sub3A_204 : f32 to vector<16xf32>
      %sub3A_206 = arith.subf %sub3A_205, %select_n3A_200 : vector<16xf32>
      %sort3A_207 = arith.constant dense<true> : vector<16xi1>
      %sort3A_208, %sort3A_209, %sort3A_210 = tpu.sort %sub3A_206, %add3A_203 masked %sort3A_207 : (vector<16xf32>, vector<16xi32>, vector<16xi1>) -> (vector<16xi1>, vector<16xf32>, vector<16xi32>)
      %sub3A_211 = arith.constant 0.000000e+00 : f32
      %sub3A_212 = vector.broadcast %sub3A_211 : f32 to vector<16xf32>
      %sub3A_213 = arith.subf %sub3A_212, %sort3A_209 : vector<16xf32>
      %add3A_214 = arith.constant 4 : i32
      %add3A_215 = vector.broadcast %add3A_214 : i32 to vector<16xi32>
      %add3A_216 = arith.addi %select_n3A, %add3A_215 : vector<16xi32>
      %eq3A_217 = arith.cmpi eq, %add3A_216, %gather3A_166 : vector<16xi32>
      %eq3A_218 = arith.cmpi eq, %add3A_216, %gather3A_169 : vector<16xi32>
      %or3A_219 = arith.ori %eq3A_217, %eq3A_218 : vector<16xi1>
      %eq3A_220 = arith.cmpi eq, %add3A_216, %gather3A_172 : vector<16xi32>
      %or3A_221 = arith.ori %or3A_219, %eq3A_220 : vector<16xi1>
      %broadcast_in_dim3A_222 = vector.broadcast %scan3A_24 : f32 to vector<16xf32>
      %select_n3A_223 = arith.select %or3A_221, %get3A_42, %broadcast_in_dim3A_222 : vector<16xi1>, vector<16xf32>
      %add3A_224 = arith.constant 32 : i32
      %add3A_225 = vector.broadcast %add3A_224 : i32 to vector<16xi32>
      %add3A_226 = arith.addi %iota3A, %add3A_225 : vector<16xi32>
      %sub3A_227 = arith.constant 0.000000e+00 : f32
      %sub3A_228 = vector.broadcast %sub3A_227 : f32 to vector<16xf32>
      %sub3A_229 = arith.subf %sub3A_228, %select_n3A_223 : vector<16xf32>
      %sort3A_230 = arith.constant dense<true> : vector<16xi1>
      %sort3A_231, %sort3A_232, %sort3A_233 = tpu.sort %sub3A_229, %add3A_226 masked %sort3A_230 : (vector<16xf32>, vector<16xi32>, vector<16xi1>) -> (vector<16xi1>, vector<16xf32>, vector<16xi32>)
      %sub3A_234 = arith.constant 0.000000e+00 : f32
      %sub3A_235 = vector.broadcast %sub3A_234 : f32 to vector<16xf32>
      %sub3A_236 = arith.subf %sub3A_235, %sort3A_232 : vector<16xf32>
      %add3A_237 = arith.constant 6 : i32
      %add3A_238 = vector.broadcast %add3A_237 : i32 to vector<16xi32>
      %add3A_239 = arith.addi %select_n3A, %add3A_238 : vector<16xi32>
      %eq3A_240 = arith.cmpi eq, %add3A_239, %gather3A_166 : vector<16xi32>
      %eq3A_241 = arith.cmpi eq, %add3A_239, %gather3A_169 : vector<16xi32>
      %or3A_242 = arith.ori %eq3A_240, %eq3A_241 : vector<16xi1>
      %eq3A_243 = arith.cmpi eq, %add3A_239, %gather3A_172 : vector<16xi32>
      %or3A_244 = arith.ori %or3A_242, %eq3A_243 : vector<16xi1>
      %broadcast_in_dim3A_245 = vector.broadcast %scan3A_24 : f32 to vector<16xf32>
      %select_n3A_246 = arith.select %or3A_244, %get3A_45, %broadcast_in_dim3A_245 : vector<16xi1>, vector<16xf32>
      %add3A_247 = arith.constant 48 : i32
      %add3A_248 = vector.broadcast %add3A_247 : i32 to vector<16xi32>
      %add3A_249 = arith.addi %iota3A, %add3A_248 : vector<16xi32>
      %sub3A_250 = arith.constant 0.000000e+00 : f32
      %sub3A_251 = vector.broadcast %sub3A_250 : f32 to vector<16xf32>
      %sub3A_252 = arith.subf %sub3A_251, %select_n3A_246 : vector<16xf32>
      %sort3A_253 = arith.constant dense<true> : vector<16xi1>
      %sort3A_254, %sort3A_255, %sort3A_256 = tpu.sort %sub3A_252, %add3A_249 masked %sort3A_253 : (vector<16xf32>, vector<16xi32>, vector<16xi1>) -> (vector<16xi1>, vector<16xf32>, vector<16xi32>)
      %sub3A_257 = arith.constant 0.000000e+00 : f32
      %sub3A_258 = vector.broadcast %sub3A_257 : f32 to vector<16xf32>
      %sub3A_259 = arith.subf %sub3A_258, %sort3A_255 : vector<16xf32>
      %broadcast_in_dim3A_260 = vector.shape_cast %and3A_6 : vector<16xi32> to vector<16x1xi32>
      %gather3A_261 = vector.shape_cast %broadcast_in_dim3A_260 : vector<16x1xi32> to vector<16xi32>
      %gather3A_262 = tpu.dynamic_gather %sub3A_213[%gather3A_261] in [0] : vector<16xf32>, vector<16xi32> -> vector<16xf32>
      %select_n3A_263 = arith.select %lt3A_4, %sub3A_190, %gather3A_262 : vector<16xi1>, vector<16xf32>
      %broadcast_in_dim3A_264 = vector.shape_cast %and3A_6 : vector<16xi32> to vector<16x1xi32>
      %gather3A_265 = vector.shape_cast %broadcast_in_dim3A_264 : vector<16x1xi32> to vector<16xi32>
      %gather3A_266 = tpu.dynamic_gather %sort3A_210[%gather3A_265] in [0] : vector<16xi32>, vector<16xi32> -> vector<16xi32>
      %select_n3A_267 = arith.select %lt3A_4, %sort3A_187, %gather3A_266 : vector<16xi1>, vector<16xi32>
      %sub3A_268 = arith.constant 0.000000e+00 : f32
      %sub3A_269 = vector.broadcast %sub3A_268 : f32 to vector<16xf32>
      %sub3A_270 = arith.subf %sub3A_269, %select_n3A_263 : vector<16xf32>
      %sort3A_271 = arith.constant dense<true> : vector<16xi1>
      %sort3A_272, %sort3A_273, %sort3A_274 = tpu.sort %sub3A_270, %select_n3A_267 masked %sort3A_271 : (vector<16xf32>, vector<16xi32>, vector<16xi1>) -> (vector<16xi1>, vector<16xf32>, vector<16xi32>)
      %sub3A_275 = arith.constant 0.000000e+00 : f32
      %sub3A_276 = vector.broadcast %sub3A_275 : f32 to vector<16xf32>
      %sub3A_277 = arith.subf %sub3A_276, %sort3A_273 : vector<16xf32>
      %broadcast_in_dim3A_278 = vector.shape_cast %and3A_6 : vector<16xi32> to vector<16x1xi32>
      %gather3A_279 = vector.shape_cast %broadcast_in_dim3A_278 : vector<16x1xi32> to vector<16xi32>
      %gather3A_280 = tpu.dynamic_gather %sub3A_259[%gather3A_279] in [0] : vector<16xf32>, vector<16xi32> -> vector<16xf32>
      %select_n3A_281 = arith.select %lt3A_4, %sub3A_236, %gather3A_280 : vector<16xi1>, vector<16xf32>
      %broadcast_in_dim3A_282 = vector.shape_cast %and3A_6 : vector<16xi32> to vector<16x1xi32>
      %gather3A_283 = vector.shape_cast %broadcast_in_dim3A_282 : vector<16x1xi32> to vector<16xi32>
      %gather3A_284 = tpu.dynamic_gather %sort3A_256[%gather3A_283] in [0] : vector<16xi32>, vector<16xi32> -> vector<16xi32>
      %select_n3A_285 = arith.select %lt3A_4, %sort3A_233, %gather3A_284 : vector<16xi1>, vector<16xi32>
      %sub3A_286 = arith.constant 0.000000e+00 : f32
      %sub3A_287 = vector.broadcast %sub3A_286 : f32 to vector<16xf32>
      %sub3A_288 = arith.subf %sub3A_287, %select_n3A_281 : vector<16xf32>
      %sort3A_289 = arith.constant dense<true> : vector<16xi1>
      %sort3A_290, %sort3A_291, %sort3A_292 = tpu.sort %sub3A_288, %select_n3A_285 masked %sort3A_289 : (vector<16xf32>, vector<16xi32>, vector<16xi1>) -> (vector<16xi1>, vector<16xf32>, vector<16xi32>)
      %sub3A_293 = arith.constant 0.000000e+00 : f32
      %sub3A_294 = vector.broadcast %sub3A_293 : f32 to vector<16xf32>
      %sub3A_295 = arith.subf %sub3A_294, %sort3A_291 : vector<16xf32>
      %broadcast_in_dim3A_296 = vector.shape_cast %and3A_6 : vector<16xi32> to vector<16x1xi32>
      %gather3A_297 = vector.shape_cast %broadcast_in_dim3A_296 : vector<16x1xi32> to vector<16xi32>
      %gather3A_298 = tpu.dynamic_gather %sub3A_295[%gather3A_297] in [0] : vector<16xf32>, vector<16xi32> -> vector<16xf32>
      %select_n3A_299 = arith.select %lt3A_4, %sub3A_277, %gather3A_298 : vector<16xi1>, vector<16xf32>
      %broadcast_in_dim3A_300 = vector.shape_cast %and3A_6 : vector<16xi32> to vector<16x1xi32>
      %gather3A_301 = vector.shape_cast %broadcast_in_dim3A_300 : vector<16x1xi32> to vector<16xi32>
      %gather3A_302 = tpu.dynamic_gather %sort3A_292[%gather3A_301] in [0] : vector<16xi32>, vector<16xi32> -> vector<16xi32>
      %select_n3A_303 = arith.select %lt3A_4, %sort3A_274, %gather3A_302 : vector<16xi1>, vector<16xi32>
      %sub3A_304 = arith.constant 0.000000e+00 : f32
      %sub3A_305 = vector.broadcast %sub3A_304 : f32 to vector<16xf32>
      %sub3A_306 = arith.subf %sub3A_305, %select_n3A_299 : vector<16xf32>
      %sort3A_307 = arith.constant dense<true> : vector<16xi1>
      %sort3A_308, %sort3A_309, %sort3A_310 = tpu.sort %sub3A_306, %select_n3A_303 masked %sort3A_307 : (vector<16xf32>, vector<16xi32>, vector<16xi1>) -> (vector<16xi1>, vector<16xf32>, vector<16xi32>)
      %sub3A_311 = arith.constant 0.000000e+00 : f32
      %sub3A_312 = vector.broadcast %sub3A_311 : f32 to vector<16xf32>
      %sub3A_313 = arith.subf %sub3A_312, %sort3A_309 : vector<16xf32>
      %sub3A_314 = arith.subf %get3A_36, %gather3A_163 : vector<16xf32>
      %exp3A = math.exp %sub3A_314 : vector<16xf32>
      %sub3A_315 = arith.subf %get3A_39, %gather3A_163 : vector<16xf32>
      %exp3A_316 = math.exp %sub3A_315 : vector<16xf32>
      %add3A_317 = arith.addf %exp3A, %exp3A_316 : vector<16xf32>
      %sub3A_318 = arith.subf %get3A_42, %gather3A_163 : vector<16xf32>
      %exp3A_319 = math.exp %sub3A_318 : vector<16xf32>
      %add3A_320 = arith.addf %add3A_317, %exp3A_319 : vector<16xf32>
      %sub3A_321 = arith.subf %get3A_45, %gather3A_163 : vector<16xf32>
      %exp3A_322 = math.exp %sub3A_321 : vector<16xf32>
      %add3A_323 = arith.addf %add3A_320, %exp3A_322 : vector<16xf32>
      %xor3A_324 = arith.constant 8 : i32
      %xor3A_325 = vector.broadcast %xor3A_324 : i32 to vector<16xi32>
      %xor3A_326 = arith.xori %iota3A, %xor3A_325 : vector<16xi32>
      %broadcast_in_dim3A_327 = vector.shape_cast %xor3A_326 : vector<16xi32> to vector<16x1xi32>
      %gather3A_328 = vector.shape_cast %broadcast_in_dim3A_327 : vector<16x1xi32> to vector<16xi32>
      %gather3A_329 = tpu.dynamic_gather %add3A_323[%gather3A_328] in [0] : vector<16xf32>, vector<16xi32> -> vector<16xf32>
      %add3A_330 = arith.addf %add3A_323, %gather3A_329 : vector<16xf32>
      %xor3A_331 = arith.constant 4 : i32
      %xor3A_332 = vector.broadcast %xor3A_331 : i32 to vector<16xi32>
      %xor3A_333 = arith.xori %iota3A, %xor3A_332 : vector<16xi32>
      %broadcast_in_dim3A_334 = vector.shape_cast %xor3A_333 : vector<16xi32> to vector<16x1xi32>
      %gather3A_335 = vector.shape_cast %broadcast_in_dim3A_334 : vector<16x1xi32> to vector<16xi32>
      %gather3A_336 = tpu.dynamic_gather %add3A_330[%gather3A_335] in [0] : vector<16xf32>, vector<16xi32> -> vector<16xf32>
      %add3A_337 = arith.addf %add3A_330, %gather3A_336 : vector<16xf32>
      %xor3A_338 = arith.constant 2 : i32
      %xor3A_339 = vector.broadcast %xor3A_338 : i32 to vector<16xi32>
      %xor3A_340 = arith.xori %iota3A, %xor3A_339 : vector<16xi32>
      %broadcast_in_dim3A_341 = vector.shape_cast %xor3A_340 : vector<16xi32> to vector<16x1xi32>
      %gather3A_342 = vector.shape_cast %broadcast_in_dim3A_341 : vector<16x1xi32> to vector<16xi32>
      %gather3A_343 = tpu.dynamic_gather %add3A_337[%gather3A_342] in [0] : vector<16xf32>, vector<16xi32> -> vector<16xf32>
      %add3A_344 = arith.addf %add3A_337, %gather3A_343 : vector<16xf32>
      %xor3A_345 = arith.constant 1 : i32
      %xor3A_346 = vector.broadcast %xor3A_345 : i32 to vector<16xi32>
      %xor3A_347 = arith.xori %iota3A, %xor3A_346 : vector<16xi32>
      %broadcast_in_dim3A_348 = vector.shape_cast %xor3A_347 : vector<16xi32> to vector<16x1xi32>
      %gather3A_349 = vector.shape_cast %broadcast_in_dim3A_348 : vector<16x1xi32> to vector<16xi32>
      %gather3A_350 = tpu.dynamic_gather %add3A_344[%gather3A_349] in [0] : vector<16xf32>, vector<16xi32> -> vector<16xf32>
      %add3A_351 = arith.addf %add3A_344, %gather3A_350 : vector<16xf32>
      %sub3A_352 = arith.subf %sub3A_313, %gather3A_163 : vector<16xf32>
      %exp3A_353 = math.exp %sub3A_352 : vector<16xf32>
      %div3A = arith.constant 1.000000e+00 : f32
      %div3A_354 = vector.broadcast %div3A : f32 to vector<16xf32>
      %div3A_355 = arith.divf %div3A_354, %add3A_351 : vector<16xf32>
      %mul3A_356 = arith.mulf %exp3A_353, %div3A_355 : vector<16xf32>
      %mul3A_357 = arith.constant 2 : i32
      %mul3A_358 = arith.muli %mul3A_357, %scan3A_32 : i32
      %add3A_359 = arith.constant 1 : i32
      %add3A_360 = arith.addi %mul3A_358, %add3A_359 : i32
      %get3A_361 = arith.index_cast %add3A_360 : i32 to index
      %get3A_362 = arith.constant 0 : index
      %get3A_363 = tpu.vector_load %arg5[%get3A_361, %get3A_362] {strides = array<i32>} : memref<1024x64xf32, #tpu.memory_space<vmem>>, vector<16xf32>,
      %get3A_364 = arith.index_cast %add3A_360 : i32 to index
      %get3A_365 = arith.constant 16 : index
      %get3A_366 = tpu.vector_load %arg5[%get3A_364, %get3A_365] {strides = array<i32>} : memref<1024x64xf32, #tpu.memory_space<vmem>>, vector<16xf32>,
      %get3A_367 = arith.index_cast %add3A_360 : i32 to index
      %get3A_368 = arith.constant 32 : index
      %get3A_369 = tpu.vector_load %arg5[%get3A_367, %get3A_368] {strides = array<i32>} : memref<1024x64xf32, #tpu.memory_space<vmem>>, vector<16xf32>,
      %get3A_370 = arith.index_cast %add3A_360 : i32 to index
      %get3A_371 = arith.constant 48 : index
      %get3A_372 = tpu.vector_load %arg5[%get3A_370, %get3A_371] {strides = array<i32>} : memref<1024x64xf32, #tpu.memory_space<vmem>>, vector<16xf32>,
      %xor3A_373 = arith.constant 4 : i32
      %xor3A_374 = vector.broadcast %xor3A_373 : i32 to vector<16xi32>
      %xor3A_375 = arith.xori %iota3A, %xor3A_374 : vector<16xi32>
      %broadcast_in_dim3A_376 = vector.shape_cast %xor3A_375 : vector<16xi32> to vector<16x1xi32>
      %gather3A_377 = vector.shape_cast %broadcast_in_dim3A_376 : vector<16x1xi32> to vector<16xi32>
      %gather3A_378 = tpu.dynamic_gather %get3A_363[%gather3A_377] in [0] : vector<16xf32>, vector<16xi32> -> vector<16xf32>
      %max3A_379 = arith.maximumf %get3A_363, %gather3A_378 : vector<16xf32>
      %xor3A_380 = arith.constant 2 : i32
      %xor3A_381 = vector.broadcast %xor3A_380 : i32 to vector<16xi32>
      %xor3A_382 = arith.xori %iota3A, %xor3A_381 : vector<16xi32>
      %broadcast_in_dim3A_383 = vector.shape_cast %xor3A_382 : vector<16xi32> to vector<16x1xi32>
      %gather3A_384 = vector.shape_cast %broadcast_in_dim3A_383 : vector<16x1xi32> to vector<16xi32>
      %gather3A_385 = tpu.dynamic_gather %max3A_379[%gather3A_384] in [0] : vector<16xf32>, vector<16xi32> -> vector<16xf32>
      %max3A_386 = arith.maximumf %max3A_379, %gather3A_385 : vector<16xf32>
      %xor3A_387 = arith.constant 1 : i32
      %xor3A_388 = vector.broadcast %xor3A_387 : i32 to vector<16xi32>
      %xor3A_389 = arith.xori %iota3A, %xor3A_388 : vector<16xi32>
      %broadcast_in_dim3A_390 = vector.shape_cast %xor3A_389 : vector<16xi32> to vector<16x1xi32>
      %gather3A_391 = vector.shape_cast %broadcast_in_dim3A_390 : vector<16x1xi32> to vector<16xi32>
      %gather3A_392 = tpu.dynamic_gather %max3A_386[%gather3A_391] in [0] : vector<16xf32>, vector<16xi32> -> vector<16xf32>
      %max3A_393 = arith.maximumf %max3A_386, %gather3A_392 : vector<16xf32>
      %xor3A_394 = arith.constant 4 : i32
      %xor3A_395 = vector.broadcast %xor3A_394 : i32 to vector<16xi32>
      %xor3A_396 = arith.xori %iota3A, %xor3A_395 : vector<16xi32>
      %broadcast_in_dim3A_397 = vector.shape_cast %xor3A_396 : vector<16xi32> to vector<16x1xi32>
      %gather3A_398 = vector.shape_cast %broadcast_in_dim3A_397 : vector<16x1xi32> to vector<16xi32>
      %gather3A_399 = tpu.dynamic_gather %get3A_366[%gather3A_398] in [0] : vector<16xf32>, vector<16xi32> -> vector<16xf32>
      %max3A_400 = arith.maximumf %get3A_366, %gather3A_399 : vector<16xf32>
      %xor3A_401 = arith.constant 2 : i32
      %xor3A_402 = vector.broadcast %xor3A_401 : i32 to vector<16xi32>
      %xor3A_403 = arith.xori %iota3A, %xor3A_402 : vector<16xi32>
      %broadcast_in_dim3A_404 = vector.shape_cast %xor3A_403 : vector<16xi32> to vector<16x1xi32>
      %gather3A_405 = vector.shape_cast %broadcast_in_dim3A_404 : vector<16x1xi32> to vector<16xi32>
      %gather3A_406 = tpu.dynamic_gather %max3A_400[%gather3A_405] in [0] : vector<16xf32>, vector<16xi32> -> vector<16xf32>
      %max3A_407 = arith.maximumf %max3A_400, %gather3A_406 : vector<16xf32>
      %xor3A_408 = arith.constant 1 : i32
      %xor3A_409 = vector.broadcast %xor3A_408 : i32 to vector<16xi32>
      %xor3A_410 = arith.xori %iota3A, %xor3A_409 : vector<16xi32>
      %broadcast_in_dim3A_411 = vector.shape_cast %xor3A_410 : vector<16xi32> to vector<16x1xi32>
      %gather3A_412 = vector.shape_cast %broadcast_in_dim3A_411 : vector<16x1xi32> to vector<16xi32>
      %gather3A_413 = tpu.dynamic_gather %max3A_407[%gather3A_412] in [0] : vector<16xf32>, vector<16xi32> -> vector<16xf32>
      %max3A_414 = arith.maximumf %max3A_407, %gather3A_413 : vector<16xf32>
      %xor3A_415 = arith.constant 4 : i32
      %xor3A_416 = vector.broadcast %xor3A_415 : i32 to vector<16xi32>
      %xor3A_417 = arith.xori %iota3A, %xor3A_416 : vector<16xi32>
      %broadcast_in_dim3A_418 = vector.shape_cast %xor3A_417 : vector<16xi32> to vector<16x1xi32>
      %gather3A_419 = vector.shape_cast %broadcast_in_dim3A_418 : vector<16x1xi32> to vector<16xi32>
      %gather3A_420 = tpu.dynamic_gather %get3A_369[%gather3A_419] in [0] : vector<16xf32>, vector<16xi32> -> vector<16xf32>
      %max3A_421 = arith.maximumf %get3A_369, %gather3A_420 : vector<16xf32>
      %xor3A_422 = arith.constant 2 : i32
      %xor3A_423 = vector.broadcast %xor3A_422 : i32 to vector<16xi32>
      %xor3A_424 = arith.xori %iota3A, %xor3A_423 : vector<16xi32>
      %broadcast_in_dim3A_425 = vector.shape_cast %xor3A_424 : vector<16xi32> to vector<16x1xi32>
      %gather3A_426 = vector.shape_cast %broadcast_in_dim3A_425 : vector<16x1xi32> to vector<16xi32>
      %gather3A_427 = tpu.dynamic_gather %max3A_421[%gather3A_426] in [0] : vector<16xf32>, vector<16xi32> -> vector<16xf32>
      %max3A_428 = arith.maximumf %max3A_421, %gather3A_427 : vector<16xf32>
      %xor3A_429 = arith.constant 1 : i32
      %xor3A_430 = vector.broadcast %xor3A_429 : i32 to vector<16xi32>
      %xor3A_431 = arith.xori %iota3A, %xor3A_430 : vector<16xi32>
      %broadcast_in_dim3A_432 = vector.shape_cast %xor3A_431 : vector<16xi32> to vector<16x1xi32>
      %gather3A_433 = vector.shape_cast %broadcast_in_dim3A_432 : vector<16x1xi32> to vector<16xi32>
      %gather3A_434 = tpu.dynamic_gather %max3A_428[%gather3A_433] in [0] : vector<16xf32>, vector<16xi32> -> vector<16xf32>
      %max3A_435 = arith.maximumf %max3A_428, %gather3A_434 : vector<16xf32>
      %xor3A_436 = arith.constant 4 : i32
      %xor3A_437 = vector.broadcast %xor3A_436 : i32 to vector<16xi32>
      %xor3A_438 = arith.xori %iota3A, %xor3A_437 : vector<16xi32>
      %broadcast_in_dim3A_439 = vector.shape_cast %xor3A_438 : vector<16xi32> to vector<16x1xi32>
      %gather3A_440 = vector.shape_cast %broadcast_in_dim3A_439 : vector<16x1xi32> to vector<16xi32>
      %gather3A_441 = tpu.dynamic_gather %get3A_372[%gather3A_440] in [0] : vector<16xf32>, vector<16xi32> -> vector<16xf32>
      %max3A_442 = arith.maximumf %get3A_372, %gather3A_441 : vector<16xf32>
      %xor3A_443 = arith.constant 2 : i32
      %xor3A_444 = vector.broadcast %xor3A_443 : i32 to vector<16xi32>
      %xor3A_445 = arith.xori %iota3A, %xor3A_444 : vector<16xi32>
      %broadcast_in_dim3A_446 = vector.shape_cast %xor3A_445 : vector<16xi32> to vector<16x1xi32>
      %gather3A_447 = vector.shape_cast %broadcast_in_dim3A_446 : vector<16x1xi32> to vector<16xi32>
      %gather3A_448 = tpu.dynamic_gather %max3A_442[%gather3A_447] in [0] : vector<16xf32>, vector<16xi32> -> vector<16xf32>
      %max3A_449 = arith.maximumf %max3A_442, %gather3A_448 : vector<16xf32>
      %xor3A_450 = arith.constant 1 : i32
      %xor3A_451 = vector.broadcast %xor3A_450 : i32 to vector<16xi32>
      %xor3A_452 = arith.xori %iota3A, %xor3A_451 : vector<16xi32>
      %broadcast_in_dim3A_453 = vector.shape_cast %xor3A_452 : vector<16xi32> to vector<16x1xi32>
      %gather3A_454 = vector.shape_cast %broadcast_in_dim3A_453 : vector<16x1xi32> to vector<16xi32>
      %gather3A_455 = tpu.dynamic_gather %max3A_449[%gather3A_454] in [0] : vector<16xf32>, vector<16xi32> -> vector<16xf32>
      %max3A_456 = arith.maximumf %max3A_449, %gather3A_455 : vector<16xf32>
      %lt3A_457 = arith.constant 2 : i32
      %lt3A_458 = vector.broadcast %lt3A_457 : i32 to vector<16xi32>
      %lt3A_459 = arith.cmpi slt, %iota3A, %lt3A_458 : vector<16xi32>
      %broadcast_in_dim3A_460 = vector.shape_cast %mul3A_12 : vector<16xi32> to vector<16x1xi32>
      %gather3A_461 = vector.shape_cast %broadcast_in_dim3A_460 : vector<16x1xi32> to vector<16xi32>
      %gather3A_462 = tpu.dynamic_gather %max3A_393[%gather3A_461] in [0] : vector<16xf32>, vector<16xi32> -> vector<16xf32>
      %lt3A_463 = arith.constant 4 : i32
      %lt3A_464 = vector.broadcast %lt3A_463 : i32 to vector<16xi32>
      %lt3A_465 = arith.cmpi slt, %iota3A, %lt3A_464 : vector<16xi32>
      %broadcast_in_dim3A_466 = vector.shape_cast %mul3A_12 : vector<16xi32> to vector<16x1xi32>
      %gather3A_467 = vector.shape_cast %broadcast_in_dim3A_466 : vector<16x1xi32> to vector<16xi32>
      %gather3A_468 = tpu.dynamic_gather %max3A_414[%gather3A_467] in [0] : vector<16xf32>, vector<16xi32> -> vector<16xf32>
      %lt3A_469 = arith.constant 6 : i32
      %lt3A_470 = vector.broadcast %lt3A_469 : i32 to vector<16xi32>
      %lt3A_471 = arith.cmpi slt, %iota3A, %lt3A_470 : vector<16xi32>
      %broadcast_in_dim3A_472 = vector.shape_cast %mul3A_12 : vector<16xi32> to vector<16x1xi32>
      %gather3A_473 = vector.shape_cast %broadcast_in_dim3A_472 : vector<16x1xi32> to vector<16xi32>
      %gather3A_474 = tpu.dynamic_gather %max3A_435[%gather3A_473] in [0] : vector<16xf32>, vector<16xi32> -> vector<16xf32>
      %broadcast_in_dim3A_475 = vector.shape_cast %mul3A_12 : vector<16xi32> to vector<16x1xi32>
      %gather3A_476 = vector.shape_cast %broadcast_in_dim3A_475 : vector<16x1xi32> to vector<16xi32>
      %gather3A_477 = tpu.dynamic_gather %max3A_456[%gather3A_476] in [0] : vector<16xf32>, vector<16xi32> -> vector<16xf32>
      %select_n3A_478 = arith.select %lt3A_471, %gather3A_474, %gather3A_477 : vector<16xi1>, vector<16xf32>
      %select_n3A_479 = arith.select %lt3A_465, %gather3A_468, %select_n3A_478 : vector<16xi1>, vector<16xf32>
      %select_n3A_480 = arith.select %lt3A_459, %gather3A_462, %select_n3A_479 : vector<16xi1>, vector<16xf32>
      %broadcast_in_dim3A_481 = vector.broadcast %scan3A_24 : f32 to vector<16xf32>
      %select_n3A_482 = arith.select %lt3A_4, %select_n3A_480, %broadcast_in_dim3A_481 : vector<16xi1>, vector<16xf32>
      %sub3A_483 = arith.constant 0.000000e+00 : f32
      %sub3A_484 = vector.broadcast %sub3A_483 : f32 to vector<16xf32>
      %sub3A_485 = arith.subf %sub3A_484, %select_n3A_482 : vector<16xf32>
      %sort3A_486 = arith.constant dense<true> : vector<16xi1>
      %sort3A_487, %sort3A_488, %sort3A_489 = tpu.sort %sub3A_485, %iota3A masked %sort3A_486 : (vector<16xf32>, vector<16xi32>, vector<16xi1>) -> (vector<16xi1>, vector<16xf32>, vector<16xi32>)
      %sub3A_490 = arith.constant 0.000000e+00 : f32
      %sub3A_491 = vector.broadcast %sub3A_490 : f32 to vector<16xf32>
      %sub3A_492 = arith.subf %sub3A_491, %sort3A_488 : vector<16xf32>
      %broadcast_in_dim3A_493 = vector.shape_cast %and3A_15 : vector<16xi32> to vector<16x1xi32>
      %gather3A_494 = vector.shape_cast %broadcast_in_dim3A_493 : vector<16x1xi32> to vector<16xi32>
      %gather3A_495 = tpu.dynamic_gather %sub3A_492[%gather3A_494] in [0] : vector<16xf32>, vector<16xi32> -> vector<16xf32>
      %broadcast_in_dim3A_496 = vector.shape_cast %and3A_15 : vector<16xi32> to vector<16x1xi32>
      %gather3A_497 = vector.shape_cast %broadcast_in_dim3A_496 : vector<16x1xi32> to vector<16xi32>
      %gather3A_498 = tpu.dynamic_gather %sort3A_489[%gather3A_497] in [0] : vector<16xi32>, vector<16xi32> -> vector<16xi32>
      %broadcast_in_dim3A_499 = vector.shape_cast %add3A_18 : vector<16xi32> to vector<16x1xi32>
      %gather3A_500 = vector.shape_cast %broadcast_in_dim3A_499 : vector<16x1xi32> to vector<16xi32>
      %gather3A_501 = tpu.dynamic_gather %sort3A_489[%gather3A_500] in [0] : vector<16xi32>, vector<16xi32> -> vector<16xi32>
      %broadcast_in_dim3A_502 = vector.shape_cast %add3A_21 : vector<16xi32> to vector<16x1xi32>
      %gather3A_503 = vector.shape_cast %broadcast_in_dim3A_502 : vector<16x1xi32> to vector<16xi32>
      %gather3A_504 = tpu.dynamic_gather %sort3A_489[%gather3A_503] in [0] : vector<16xi32>, vector<16xi32> -> vector<16xi32>
      %add3A_505 = arith.constant 0 : i32
      %add3A_506 = vector.broadcast %add3A_505 : i32 to vector<16xi32>
      %add3A_507 = arith.addi %select_n3A, %add3A_506 : vector<16xi32>
      %eq3A_508 = arith.cmpi eq, %add3A_507, %gather3A_498 : vector<16xi32>
      %eq3A_509 = arith.cmpi eq, %add3A_507, %gather3A_501 : vector<16xi32>
      %or3A_510 = arith.ori %eq3A_508, %eq3A_509 : vector<16xi1>
      %eq3A_511 = arith.cmpi eq, %add3A_507, %gather3A_504 : vector<16xi32>
      %or3A_512 = arith.ori %or3A_510, %eq3A_511 : vector<16xi1>
      %broadcast_in_dim3A_513 = vector.broadcast %scan3A_24 : f32 to vector<16xf32>
      %select_n3A_514 = arith.select %or3A_512, %get3A_363, %broadcast_in_dim3A_513 : vector<16xi1>, vector<16xf32>
      %sub3A_515 = arith.constant 0.000000e+00 : f32
      %sub3A_516 = vector.broadcast %sub3A_515 : f32 to vector<16xf32>
      %sub3A_517 = arith.subf %sub3A_516, %select_n3A_514 : vector<16xf32>
      %sort3A_518 = arith.constant dense<true> : vector<16xi1>
      %sort3A_519, %sort3A_520, %sort3A_521 = tpu.sort %sub3A_517, %iota3A masked %sort3A_518 : (vector<16xf32>, vector<16xi32>, vector<16xi1>) -> (vector<16xi1>, vector<16xf32>, vector<16xi32>)
      %sub3A_522 = arith.constant 0.000000e+00 : f32
      %sub3A_523 = vector.broadcast %sub3A_522 : f32 to vector<16xf32>
      %sub3A_524 = arith.subf %sub3A_523, %sort3A_520 : vector<16xf32>
      %add3A_525 = arith.constant 2 : i32
      %add3A_526 = vector.broadcast %add3A_525 : i32 to vector<16xi32>
      %add3A_527 = arith.addi %select_n3A, %add3A_526 : vector<16xi32>
      %eq3A_528 = arith.cmpi eq, %add3A_527, %gather3A_498 : vector<16xi32>
      %eq3A_529 = arith.cmpi eq, %add3A_527, %gather3A_501 : vector<16xi32>
      %or3A_530 = arith.ori %eq3A_528, %eq3A_529 : vector<16xi1>
      %eq3A_531 = arith.cmpi eq, %add3A_527, %gather3A_504 : vector<16xi32>
      %or3A_532 = arith.ori %or3A_530, %eq3A_531 : vector<16xi1>
      %broadcast_in_dim3A_533 = vector.broadcast %scan3A_24 : f32 to vector<16xf32>
      %select_n3A_534 = arith.select %or3A_532, %get3A_366, %broadcast_in_dim3A_533 : vector<16xi1>, vector<16xf32>
      %add3A_535 = arith.constant 16 : i32
      %add3A_536 = vector.broadcast %add3A_535 : i32 to vector<16xi32>
      %add3A_537 = arith.addi %iota3A, %add3A_536 : vector<16xi32>
      %sub3A_538 = arith.constant 0.000000e+00 : f32
      %sub3A_539 = vector.broadcast %sub3A_538 : f32 to vector<16xf32>
      %sub3A_540 = arith.subf %sub3A_539, %select_n3A_534 : vector<16xf32>
      %sort3A_541 = arith.constant dense<true> : vector<16xi1>
      %sort3A_542, %sort3A_543, %sort3A_544 = tpu.sort %sub3A_540, %add3A_537 masked %sort3A_541 : (vector<16xf32>, vector<16xi32>, vector<16xi1>) -> (vector<16xi1>, vector<16xf32>, vector<16xi32>)
      %sub3A_545 = arith.constant 0.000000e+00 : f32
      %sub3A_546 = vector.broadcast %sub3A_545 : f32 to vector<16xf32>
      %sub3A_547 = arith.subf %sub3A_546, %sort3A_543 : vector<16xf32>
      %add3A_548 = arith.constant 4 : i32
      %add3A_549 = vector.broadcast %add3A_548 : i32 to vector<16xi32>
      %add3A_550 = arith.addi %select_n3A, %add3A_549 : vector<16xi32>
      %eq3A_551 = arith.cmpi eq, %add3A_550, %gather3A_498 : vector<16xi32>
      %eq3A_552 = arith.cmpi eq, %add3A_550, %gather3A_501 : vector<16xi32>
      %or3A_553 = arith.ori %eq3A_551, %eq3A_552 : vector<16xi1>
      %eq3A_554 = arith.cmpi eq, %add3A_550, %gather3A_504 : vector<16xi32>
      %or3A_555 = arith.ori %or3A_553, %eq3A_554 : vector<16xi1>
      %broadcast_in_dim3A_556 = vector.broadcast %scan3A_24 : f32 to vector<16xf32>
      %select_n3A_557 = arith.select %or3A_555, %get3A_369, %broadcast_in_dim3A_556 : vector<16xi1>, vector<16xf32>
      %add3A_558 = arith.constant 32 : i32
      %add3A_559 = vector.broadcast %add3A_558 : i32 to vector<16xi32>
      %add3A_560 = arith.addi %iota3A, %add3A_559 : vector<16xi32>
      %sub3A_561 = arith.constant 0.000000e+00 : f32
      %sub3A_562 = vector.broadcast %sub3A_561 : f32 to vector<16xf32>
      %sub3A_563 = arith.subf %sub3A_562, %select_n3A_557 : vector<16xf32>
      %sort3A_564 = arith.constant dense<true> : vector<16xi1>
      %sort3A_565, %sort3A_566, %sort3A_567 = tpu.sort %sub3A_563, %add3A_560 masked %sort3A_564 : (vector<16xf32>, vector<16xi32>, vector<16xi1>) -> (vector<16xi1>, vector<16xf32>, vector<16xi32>)
      %sub3A_568 = arith.constant 0.000000e+00 : f32
      %sub3A_569 = vector.broadcast %sub3A_568 : f32 to vector<16xf32>
      %sub3A_570 = arith.subf %sub3A_569, %sort3A_566 : vector<16xf32>
      %add3A_571 = arith.constant 6 : i32
      %add3A_572 = vector.broadcast %add3A_571 : i32 to vector<16xi32>
      %add3A_573 = arith.addi %select_n3A, %add3A_572 : vector<16xi32>
      %eq3A_574 = arith.cmpi eq, %add3A_573, %gather3A_498 : vector<16xi32>
      %eq3A_575 = arith.cmpi eq, %add3A_573, %gather3A_501 : vector<16xi32>
      %or3A_576 = arith.ori %eq3A_574, %eq3A_575 : vector<16xi1>
      %eq3A_577 = arith.cmpi eq, %add3A_573, %gather3A_504 : vector<16xi32>
      %or3A_578 = arith.ori %or3A_576, %eq3A_577 : vector<16xi1>
      %broadcast_in_dim3A_579 = vector.broadcast %scan3A_24 : f32 to vector<16xf32>
      %select_n3A_580 = arith.select %or3A_578, %get3A_372, %broadcast_in_dim3A_579 : vector<16xi1>, vector<16xf32>
      %add3A_581 = arith.constant 48 : i32
      %add3A_582 = vector.broadcast %add3A_581 : i32 to vector<16xi32>
      %add3A_583 = arith.addi %iota3A, %add3A_582 : vector<16xi32>
      %sub3A_584 = arith.constant 0.000000e+00 : f32
      %sub3A_585 = vector.broadcast %sub3A_584 : f32 to vector<16xf32>
      %sub3A_586 = arith.subf %sub3A_585, %select_n3A_580 : vector<16xf32>
      %sort3A_587 = arith.constant dense<true> : vector<16xi1>
      %sort3A_588, %sort3A_589, %sort3A_590 = tpu.sort %sub3A_586, %add3A_583 masked %sort3A_587 : (vector<16xf32>, vector<16xi32>, vector<16xi1>) -> (vector<16xi1>, vector<16xf32>, vector<16xi32>)
      %sub3A_591 = arith.constant 0.000000e+00 : f32
      %sub3A_592 = vector.broadcast %sub3A_591 : f32 to vector<16xf32>
      %sub3A_593 = arith.subf %sub3A_592, %sort3A_589 : vector<16xf32>
      %broadcast_in_dim3A_594 = vector.shape_cast %and3A_6 : vector<16xi32> to vector<16x1xi32>
      %gather3A_595 = vector.shape_cast %broadcast_in_dim3A_594 : vector<16x1xi32> to vector<16xi32>
      %gather3A_596 = tpu.dynamic_gather %sub3A_547[%gather3A_595] in [0] : vector<16xf32>, vector<16xi32> -> vector<16xf32>
      %select_n3A_597 = arith.select %lt3A_4, %sub3A_524, %gather3A_596 : vector<16xi1>, vector<16xf32>
      %broadcast_in_dim3A_598 = vector.shape_cast %and3A_6 : vector<16xi32> to vector<16x1xi32>
      %gather3A_599 = vector.shape_cast %broadcast_in_dim3A_598 : vector<16x1xi32> to vector<16xi32>
      %gather3A_600 = tpu.dynamic_gather %sort3A_544[%gather3A_599] in [0] : vector<16xi32>, vector<16xi32> -> vector<16xi32>
      %select_n3A_601 = arith.select %lt3A_4, %sort3A_521, %gather3A_600 : vector<16xi1>, vector<16xi32>
      %sub3A_602 = arith.constant 0.000000e+00 : f32
      %sub3A_603 = vector.broadcast %sub3A_602 : f32 to vector<16xf32>
      %sub3A_604 = arith.subf %sub3A_603, %select_n3A_597 : vector<16xf32>
      %sort3A_605 = arith.constant dense<true> : vector<16xi1>
      %sort3A_606, %sort3A_607, %sort3A_608 = tpu.sort %sub3A_604, %select_n3A_601 masked %sort3A_605 : (vector<16xf32>, vector<16xi32>, vector<16xi1>) -> (vector<16xi1>, vector<16xf32>, vector<16xi32>)
      %sub3A_609 = arith.constant 0.000000e+00 : f32
      %sub3A_610 = vector.broadcast %sub3A_609 : f32 to vector<16xf32>
      %sub3A_611 = arith.subf %sub3A_610, %sort3A_607 : vector<16xf32>
      %broadcast_in_dim3A_612 = vector.shape_cast %and3A_6 : vector<16xi32> to vector<16x1xi32>
      %gather3A_613 = vector.shape_cast %broadcast_in_dim3A_612 : vector<16x1xi32> to vector<16xi32>
      %gather3A_614 = tpu.dynamic_gather %sub3A_593[%gather3A_613] in [0] : vector<16xf32>, vector<16xi32> -> vector<16xf32>
      %select_n3A_615 = arith.select %lt3A_4, %sub3A_570, %gather3A_614 : vector<16xi1>, vector<16xf32>
      %broadcast_in_dim3A_616 = vector.shape_cast %and3A_6 : vector<16xi32> to vector<16x1xi32>
      %gather3A_617 = vector.shape_cast %broadcast_in_dim3A_616 : vector<16x1xi32> to vector<16xi32>
      %gather3A_618 = tpu.dynamic_gather %sort3A_590[%gather3A_617] in [0] : vector<16xi32>, vector<16xi32> -> vector<16xi32>
      %select_n3A_619 = arith.select %lt3A_4, %sort3A_567, %gather3A_618 : vector<16xi1>, vector<16xi32>
      %sub3A_620 = arith.constant 0.000000e+00 : f32
      %sub3A_621 = vector.broadcast %sub3A_620 : f32 to vector<16xf32>
      %sub3A_622 = arith.subf %sub3A_621, %select_n3A_615 : vector<16xf32>
      %sort3A_623 = arith.constant dense<true> : vector<16xi1>
      %sort3A_624, %sort3A_625, %sort3A_626 = tpu.sort %sub3A_622, %select_n3A_619 masked %sort3A_623 : (vector<16xf32>, vector<16xi32>, vector<16xi1>) -> (vector<16xi1>, vector<16xf32>, vector<16xi32>)
      %sub3A_627 = arith.constant 0.000000e+00 : f32
      %sub3A_628 = vector.broadcast %sub3A_627 : f32 to vector<16xf32>
      %sub3A_629 = arith.subf %sub3A_628, %sort3A_625 : vector<16xf32>
      %broadcast_in_dim3A_630 = vector.shape_cast %and3A_6 : vector<16xi32> to vector<16x1xi32>
      %gather3A_631 = vector.shape_cast %broadcast_in_dim3A_630 : vector<16x1xi32> to vector<16xi32>
      %gather3A_632 = tpu.dynamic_gather %sub3A_629[%gather3A_631] in [0] : vector<16xf32>, vector<16xi32> -> vector<16xf32>
      %select_n3A_633 = arith.select %lt3A_4, %sub3A_611, %gather3A_632 : vector<16xi1>, vector<16xf32>
      %broadcast_in_dim3A_634 = vector.shape_cast %and3A_6 : vector<16xi32> to vector<16x1xi32>
      %gather3A_635 = vector.shape_cast %broadcast_in_dim3A_634 : vector<16x1xi32> to vector<16xi32>
      %gather3A_636 = tpu.dynamic_gather %sort3A_626[%gather3A_635] in [0] : vector<16xi32>, vector<16xi32> -> vector<16xi32>
      %select_n3A_637 = arith.select %lt3A_4, %sort3A_608, %gather3A_636 : vector<16xi1>, vector<16xi32>
      %sub3A_638 = arith.constant 0.000000e+00 : f32
      %sub3A_639 = vector.broadcast %sub3A_638 : f32 to vector<16xf32>
      %sub3A_640 = arith.subf %sub3A_639, %select_n3A_633 : vector<16xf32>
      %sort3A_641 = arith.constant dense<true> : vector<16xi1>
      %sort3A_642, %sort3A_643, %sort3A_644 = tpu.sort %sub3A_640, %select_n3A_637 masked %sort3A_641 : (vector<16xf32>, vector<16xi32>, vector<16xi1>) -> (vector<16xi1>, vector<16xf32>, vector<16xi32>)
      %sub3A_645 = arith.constant 0.000000e+00 : f32
      %sub3A_646 = vector.broadcast %sub3A_645 : f32 to vector<16xf32>
      %sub3A_647 = arith.subf %sub3A_646, %sort3A_643 : vector<16xf32>
      %sub3A_648 = arith.subf %get3A_363, %gather3A_495 : vector<16xf32>
      %exp3A_649 = math.exp %sub3A_648 : vector<16xf32>
      %sub3A_650 = arith.subf %get3A_366, %gather3A_495 : vector<16xf32>
      %exp3A_651 = math.exp %sub3A_650 : vector<16xf32>
      %add3A_652 = arith.addf %exp3A_649, %exp3A_651 : vector<16xf32>
      %sub3A_653 = arith.subf %get3A_369, %gather3A_495 : vector<16xf32>
      %exp3A_654 = math.exp %sub3A_653 : vector<16xf32>
      %add3A_655 = arith.addf %add3A_652, %exp3A_654 : vector<16xf32>
      %sub3A_656 = arith.subf %get3A_372, %gather3A_495 : vector<16xf32>
      %exp3A_657 = math.exp %sub3A_656 : vector<16xf32>
      %add3A_658 = arith.addf %add3A_655, %exp3A_657 : vector<16xf32>
      %xor3A_659 = arith.constant 8 : i32
      %xor3A_660 = vector.broadcast %xor3A_659 : i32 to vector<16xi32>
      %xor3A_661 = arith.xori %iota3A, %xor3A_660 : vector<16xi32>
      %broadcast_in_dim3A_662 = vector.shape_cast %xor3A_661 : vector<16xi32> to vector<16x1xi32>
      %gather3A_663 = vector.shape_cast %broadcast_in_dim3A_662 : vector<16x1xi32> to vector<16xi32>
      %gather3A_664 = tpu.dynamic_gather %add3A_658[%gather3A_663] in [0] : vector<16xf32>, vector<16xi32> -> vector<16xf32>
      %add3A_665 = arith.addf %add3A_658, %gather3A_664 : vector<16xf32>
      %xor3A_666 = arith.constant 4 : i32
      %xor3A_667 = vector.broadcast %xor3A_666 : i32 to vector<16xi32>
      %xor3A_668 = arith.xori %iota3A, %xor3A_667 : vector<16xi32>
      %broadcast_in_dim3A_669 = vector.shape_cast %xor3A_668 : vector<16xi32> to vector<16x1xi32>
      %gather3A_670 = vector.shape_cast %broadcast_in_dim3A_669 : vector<16x1xi32> to vector<16xi32>
      %gather3A_671 = tpu.dynamic_gather %add3A_665[%gather3A_670] in [0] : vector<16xf32>, vector<16xi32> -> vector<16xf32>
      %add3A_672 = arith.addf %add3A_665, %gather3A_671 : vector<16xf32>
      %xor3A_673 = arith.constant 2 : i32
      %xor3A_674 = vector.broadcast %xor3A_673 : i32 to vector<16xi32>
      %xor3A_675 = arith.xori %iota3A, %xor3A_674 : vector<16xi32>
      %broadcast_in_dim3A_676 = vector.shape_cast %xor3A_675 : vector<16xi32> to vector<16x1xi32>
      %gather3A_677 = vector.shape_cast %broadcast_in_dim3A_676 : vector<16x1xi32> to vector<16xi32>
      %gather3A_678 = tpu.dynamic_gather %add3A_672[%gather3A_677] in [0] : vector<16xf32>, vector<16xi32> -> vector<16xf32>
      %add3A_679 = arith.addf %add3A_672, %gather3A_678 : vector<16xf32>
      %xor3A_680 = arith.constant 1 : i32
      %xor3A_681 = vector.broadcast %xor3A_680 : i32 to vector<16xi32>
      %xor3A_682 = arith.xori %iota3A, %xor3A_681 : vector<16xi32>
      %broadcast_in_dim3A_683 = vector.shape_cast %xor3A_682 : vector<16xi32> to vector<16x1xi32>
      %gather3A_684 = vector.shape_cast %broadcast_in_dim3A_683 : vector<16x1xi32> to vector<16xi32>
      %gather3A_685 = tpu.dynamic_gather %add3A_679[%gather3A_684] in [0] : vector<16xf32>, vector<16xi32> -> vector<16xf32>
      %add3A_686 = arith.addf %add3A_679, %gather3A_685 : vector<16xf32>
      %sub3A_687 = arith.subf %sub3A_647, %gather3A_495 : vector<16xf32>
      %exp3A_688 = math.exp %sub3A_687 : vector<16xf32>
      %div3A_689 = arith.constant 1.000000e+00 : f32
      %div3A_690 = vector.broadcast %div3A_689 : f32 to vector<16xf32>
      %div3A_691 = arith.divf %div3A_690, %add3A_686 : vector<16xf32>
      %mul3A_692 = arith.mulf %exp3A_688, %div3A_691 : vector<16xf32>
      %broadcast_in_dim3A_693 = vector.shape_cast %and3A_6 : vector<16xi32> to vector<16x1xi32>
      %gather3A_694 = vector.shape_cast %broadcast_in_dim3A_693 : vector<16x1xi32> to vector<16xi32>
      %gather3A_695 = tpu.dynamic_gather %sort3A_644[%gather3A_694] in [0] : vector<16xi32>, vector<16xi32> -> vector<16xi32>
      %select_n3A_696 = arith.select %lt3A_4, %sort3A_310, %gather3A_695 : vector<16xi1>, vector<16xi32>
      %swap3A = arith.index_cast %scan3A_32 : i32 to index
      %swap3A_697 = arith.constant 0 : index
      %swap3A_698 = tpu.vector_load %arg6[%swap3A, %swap3A_697] {strides = array<i32>} : memref<512x16xi32, #tpu.memory_space<vmem>>, vector<16xi32>,
      tpu.vector_store %arg6[%swap3A, %swap3A_697], %select_n3A_696 {strides = array<i32>} : memref<512x16xi32, #tpu.memory_space<vmem>>, vector<16xi32>,
      %broadcast_in_dim3A_699 = vector.shape_cast %and3A_6 : vector<16xi32> to vector<16x1xi32>
      %gather3A_700 = vector.shape_cast %broadcast_in_dim3A_699 : vector<16x1xi32> to vector<16xi32>
      %gather3A_701 = tpu.dynamic_gather %mul3A_692[%gather3A_700] in [0] : vector<16xf32>, vector<16xi32> -> vector<16xf32>
      %select_n3A_702 = arith.select %lt3A_4, %mul3A_356, %gather3A_701 : vector<16xi1>, vector<16xf32>
      %swap3A_703 = arith.index_cast %scan3A_32 : i32 to index
      %swap3A_704 = arith.constant 0 : index
      %swap3A_705 = tpu.vector_load %arg7[%swap3A_703, %swap3A_704] {strides = array<i32>} : memref<512x16xf32, #tpu.memory_space<vmem>>, vector<16xf32>,
      tpu.vector_store %arg7[%swap3A_703, %swap3A_704], %select_n3A_702 {strides = array<i32>} : memref<512x16xf32, #tpu.memory_space<vmem>>, vector<16xf32>,
    }
    %scan3A_29 = arith.constant 512 : i32
    %mul3A_30 = arith.constant 512 : i32
    %mul3A_31 = arith.muli %add3A, %mul3A_30 : i32
    "tpu.region"() ({
      %run_scoped3A = tpu.sem_alloc : memref<!tpu.dma_semaphore, #tpu.memory_space<semaphore_mem>>
      %dma_start3A = arith.constant 0 : i32
      %dma_start3A_32 = tpu.memref_slice %arg3[%mul3A_31, %dma_start3A] : memref<16384x16xi32, #tpu.memory_space<hbm>> -> memref<512x16xi32, #tpu.memory_space<hbm>>
      %dma_start3A_33 = arith.constant 0 : i32
      %dma_start3A_34 = tpu.memref_slice %arg3[%mul3A_31, %dma_start3A_33] : memref<16384x16xi32, #tpu.memory_space<hbm>> -> memref<512x16xi32, #tpu.memory_space<hbm>>
      tpu.enqueue_dma source(%arg6 : memref<512x16xi32, #tpu.memory_space<vmem>>) target(%dma_start3A_34 : memref<512x16xi32, #tpu.memory_space<hbm>>) target_semaphore(%run_scoped3A : memref<!tpu.dma_semaphore, #tpu.memory_space<semaphore_mem>>)
      %dma_wait3A = arith.constant 0 : i32
      %dma_wait3A_35 = tpu.memref_slice %arg3[%mul3A_31, %dma_wait3A] : memref<16384x16xi32, #tpu.memory_space<hbm>> -> memref<512x16xi32, #tpu.memory_space<hbm>>
      %dma_wait3A_36 = arith.constant 0 : i32
      %dma_wait3A_37 = tpu.memref_slice %arg3[%mul3A_31, %dma_wait3A_36] : memref<16384x16xi32, #tpu.memory_space<hbm>> -> memref<512x16xi32, #tpu.memory_space<hbm>>
      tpu.wait_dma2 semaphore(%run_scoped3A : memref<!tpu.dma_semaphore, #tpu.memory_space<semaphore_mem>>) src(%arg6 : memref<512x16xi32, #tpu.memory_space<vmem>>) dst(%dma_wait3A_37 : memref<512x16xi32, #tpu.memory_space<hbm>>)
      tpu.yield
    }) : () -> ()
    "tpu.region"() ({
      %run_scoped3A = tpu.sem_alloc : memref<!tpu.dma_semaphore, #tpu.memory_space<semaphore_mem>>
      %dma_start3A = arith.constant 0 : i32
      %dma_start3A_32 = tpu.memref_slice %arg4[%mul3A_31, %dma_start3A] : memref<16384x16xf32, #tpu.memory_space<hbm>> -> memref<512x16xf32, #tpu.memory_space<hbm>>
      %dma_start3A_33 = arith.constant 0 : i32
      %dma_start3A_34 = tpu.memref_slice %arg4[%mul3A_31, %dma_start3A_33] : memref<16384x16xf32, #tpu.memory_space<hbm>> -> memref<512x16xf32, #tpu.memory_space<hbm>>
      tpu.enqueue_dma source(%arg7 : memref<512x16xf32, #tpu.memory_space<vmem>>) target(%dma_start3A_34 : memref<512x16xf32, #tpu.memory_space<hbm>>) target_semaphore(%run_scoped3A : memref<!tpu.dma_semaphore, #tpu.memory_space<semaphore_mem>>)
      %dma_wait3A = arith.constant 0 : i32
      %dma_wait3A_35 = tpu.memref_slice %arg4[%mul3A_31, %dma_wait3A] : memref<16384x16xf32, #tpu.memory_space<hbm>> -> memref<512x16xf32, #tpu.memory_space<hbm>>
      %dma_wait3A_36 = arith.constant 0 : i32
      %dma_wait3A_37 = tpu.memref_slice %arg4[%mul3A_31, %dma_wait3A_36] : memref<16384x16xf32, #tpu.memory_space<hbm>> -> memref<512x16xf32, #tpu.memory_space<hbm>>
      tpu.wait_dma2 semaphore(%run_scoped3A : memref<!tpu.dma_semaphore, #tpu.memory_space<semaphore_mem>>) src(%arg7 : memref<512x16xf32, #tpu.memory_space<vmem>>) dst(%dma_wait3A_37 : memref<512x16xf32, #tpu.memory_space<hbm>>)
      tpu.yield
    }) : () -> ()
    return
  }
}

module attributes {stable_mosaic.version = 14 : i64} {
  func.func @_logits_block(%arg0: i32, %arg1: memref<4096x768xf32, #tpu.memory_space<vmem>>, %arg2: memref<64x768xf32, #tpu.memory_space<vmem>>, %arg3: memref<4096x64xf32, #tpu.memory_space<vmem>>) attributes {dimension_semantics = [#tpu.dimension_semantics<arbitrary>], iteration_bounds = array<i64: 8>, scalar_prefetch = 0 : i64, scratch_operands = 0 : i64, tpu.core_type = #tpu.core_type<tc>, window_params = [{transform_indices = @transform_0, window_bounds = array<i64: 4096, 768>}, {pipeline_mode = #tpu.pipeline_mode<synchronous>, transform_indices = @transform_1, window_bounds = array<i64: 64, 768>}, {transform_indices = @transform_2, window_bounds = array<i64: 4096, 64>}]} {
    %get3A = arith.constant 0 : index
    %get3A_0 = arith.constant 0 : index
    %get3A_1 = vector.load %arg1[%get3A, %get3A_0] : memref<4096x768xf32, #tpu.memory_space<vmem>>, vector<4096x768xf32>
    %get3A_2 = arith.constant 0 : index
    %get3A_3 = arith.constant 0 : index
    %get3A_4 = vector.load %arg2[%get3A_2, %get3A_3] : memref<64x768xf32, #tpu.memory_space<vmem>>, vector<64x768xf32>
    %dot_general3A = arith.constant dense<0.000000e+00> : vector<4096x64xf32>
    %dot_general3A_5 = tpu.matmul %get3A_1, %get3A_4, %dot_general3A {dimension_numbers = #tpu.dot_dimension_numbers<[1], [1], [0], [0], [0, 0, 1, 0], [], []>, transpose_lhs_hint = false} : vector<4096x768xf32>, vector<64x768xf32>, vector<4096x64xf32> -> vector<4096x64xf32>
    %swap3A = arith.constant 0 : index
    %swap3A_6 = arith.constant 0 : index
    %swap3A_7 = vector.load %arg3[%swap3A, %swap3A_6] : memref<4096x64xf32, #tpu.memory_space<vmem>>, vector<4096x64xf32>
    tpu.vector_store %arg3[%swap3A, %swap3A_6], %dot_general3A_5 {strides = array<i32>} : memref<4096x64xf32, #tpu.memory_space<vmem>>, vector<4096x64xf32>,
    return
  }
  func.func @transform_0(%arg0: i32) -> (i32, i32) {
    %c0_i32 = arith.constant 0 : i32
    %c0_i32_0 = arith.constant 0 : i32
    return %arg0, %c0_i32 : i32, i32
  }
  func.func @transform_1(%arg0: i32) -> (i32, i32) {
    %c0_i32 = arith.constant 0 : i32
    %c0_i32_0 = arith.constant 0 : i32
    %c0_i32_1 = arith.constant 0 : i32
    return %c0_i32, %c0_i32_0 : i32, i32
  }
  func.func @transform_2(%arg0: i32) -> (i32, i32) {
    %c0_i32 = arith.constant 0 : i32
    %c0_i32_0 = arith.constant 0 : i32
    return %arg0, %c0_i32 : i32, i32
  }
}

</mosaic_0001>

<sc_bundles>
// kernel: kernel.4.cloned.1.call-start
scs
__scs_entry_jumppad:
0x0: {  	(pc) =	sbr.rel $0x88, $3  }
0x1: {  	(tag) =	ssettag $0x0;
	lr =	simm.s32 $0x1  }
0x2: {  	[smem:$0x3F9F] =	sst lr;
	_ =	strace $0xD0000000  }
0x3: {  	_ = 	snop  }
0x4: {  	_ = 	snop  }
0x5: {  	_ = 	snop  }
0x6: {  	_ = 	snop  }
0x7: {  	_ = 	snop  }
__scs_overlays_trampoline_lowered:
0x8: {  	[smem:$0x3FAE] =	sst s0  }
0x9: {  	[smem:$0x3FAF] =	sst s1  }
0xa: {  	[smem:$0x3FB0] =	sst s2  }
0xb: {  	[smem:$0x3FB1] =	sst s3  }
0xc: {  	[smem:$0x3FB2] =	sst s4  }
0xd: {  	[smem:$0x3FB3] =	sst s5  }
0xe: {  	[smem:$0x3FB4] =	sst s6  }
0xf: {  	[smem:$0x3FB5] =	sst s7  }
0x10: {  	[smem:$0x3FB6] =	sst s8  }
0x11: {  	[smem:$0x3FB7] =	sst s9;
	s0 =	simm.s32 @!p0 $0x0  }
0x12: {  	s1 =	sld [smem:$0x3F9D];
	s0 =	simm.s32 @p0 $0x1  }
0x13: {  	[smem:$0x3FB8] =	sst s0;
	s0 =	simm.s32 @!p1 $0x0  }
0x14: {  	s2 =	sld [smem:$0x3F9C];
	s0 =	simm.s32 @p1 $0x1  }
0x15: {  	[smem:$0x3FB9] =	sst s0;
	s0 =	simm.s32 @!p2 $0x0  }
0x16: {  	s3 =	sld [smem:$0x3FDB];
	s0 =	simm.s32 @p2 $0x1  }
0x17: {  	s4 =	simm.s32 $0x1BF5;
	[smem:$0x3FBB] =	sst s0  }
0x18: {  	s0 =	sld [smem:$0x3F9E];
	_ =	swait.ge [sflag:s4], $0x0  }
0x19: {  	s7 =	sld [smem:$0x3F9F]  }
0x1a: {  	s8 =	sadd.s32 $0xFFFFE003, lr  }
0x1b: {  	s9 =	sadd.s32 $0xFFFFFEF7, lr;
	s5 =	simm.s32 $0xFFFFFFFF;
	p2 =	slt.u32 s8, $0xFFFFF086  }
0x1c: {  	p1 =	slt.u32 s9, $0xF7A;
	s5 =	simm.s32 @!p2 $0x0  }
0x1d: {  	s5 =	simm.s32 @p1 $0x1;
	p0 =	seq.s32 s7, s2  }
0x1e: {  	s7 =	smul.u32 @!p0 $0xF7A, s2;
	p2 =	seq.s32 @!p0 s5, $0x0  }
0x1f: {  	s9 =	smul.u32 $0xF7A, s1;
	s8 =	simm.s32 @!p0 $0x1BF5;
	p2 =	por !p2, p0  }
0x20: {  	[sflag:s8] =	ssyncset.s32 @!p0 $0xFFFFF086;
	s6 =	sadd.s32 @!p0 s3, s7;
	s7 =	simm.s32 @!p0 $0x108  }
0x21: {  	s3 =	sadd.s32 s3, s9;
	s6 =	sadd.s32 @!p0 $0x88, s6;
	s7 =	simm.s32 @p2 $0x1082  }
0x22: {  	[simem:s7], [sflag:s8] =	dma.local @!p0 [hbm:s6], $0xF7A  }
0x23: {  	s9 =	sor.u32 $0xD0000000, s2;
	s6 =	simm.s32 $0x108;
	_ =	swait.ge @!p0 [sflag:s8], $0x0  }
0x24: {  	s3 =	sadd.s32 $0x88, s3;
	s6 =	simm.s32 @!p1 $0x1082;
	[sflag:s4] =	ssyncset.s32 $0xFFFFF086  }
0x25: {  	[simem:s6], [sflag:s4] =	dma.local [hbm:s3], $0xF7A  }
0x26: {  	[smem:$0x3F9F] =	sst s1;
	(tag) =	ssettag s2;
	_ =	strace s9  }
0x27: {  	s1 =	sld [smem:$0x3FAF]  }
0x28: {  	s2 =	sld [smem:$0x3FB0]  }
0x29: {  	s4 =	sld [smem:$0x3FB2]  }
0x2a: {  	p0 =	seq.s32 s5, $0x0;
	s5 =	sld [smem:$0x3FB3]  }
0x2b: {  	s6 =	sld [smem:$0x3FB4]  }
0x2c: {  	s7 =	sld [smem:$0x3FB5]  }
0x2d: {  	s3 =	simm.s32 $0x108;
	s8 =	sld [smem:$0x3FB6]  }
0x2e: {  	s3 =	simm.s32 @!p0 $0x1082;
	s9 =	sld [smem:$0x3FB7]  }
0x2f: {  	lr =	sadd.s32 s0, s3;
	s0 =	sld [smem:$0x3FAE]  }
0x30: {  	s3 =	sld [smem:$0x3FB1]  }
0x31: {  	[smem:$0x3FBA] =	sst s10  }
0x32: {  	s10 =	sld [smem:$0x3FB8];
	_ =	sdelay $0x3  }
0x33: {  	p0 =	seq.s32 s10, $0x1;
	s10 =	sld [smem:$0x3FBA];
	_ =	sdelay $0x3  }
0x34: {  	[smem:$0x3FBA] =	sst s10  }
0x35: {  	s10 =	sld [smem:$0x3FB9];
	_ =	sdelay $0x3  }
0x36: {  	p1 =	seq.s32 s10, $0x1;
	s10 =	sld [smem:$0x3FBA];
	_ =	sdelay $0x3  }
0x37: {  	[smem:$0x3FBA] =	sst s10  }
0x38: {  	s10 =	sld [smem:$0x3FBB]  }
0x39: {  	_ = 	snop;
	(pc) =	sbr.ind lr, $3  }
0x3a: {  	_ = 	snop  }
0x3b: {  	_ = 	snop  }
0x3c: {  	p2 =	seq.s32 s10, $0x1;
	s10 =	sld [smem:$0x3FBA]  }
0x3d: {  	_ =	shalt  }
0x3e: {  	_ =	shalt  }
0x3f: {  	_ =	shalt  }
0x40: {  	_ =	shalt  }
0x41: {  	_ =	shalt  }
0x42: {  	_ =	shalt  }
0x43: {  	_ =	shalt  }
0x44: {  	_ =	shalt  }
0x45: {  	_ =	shalt  }
0x46: {  	_ =	shalt  }
0x47: {  	_ =	shalt  }
0x48: {  	_ =	shalt  }
0x49: {  	_ =	shalt  }
0x4a: {  	_ =	shalt  }
0x4b: {  	_ =	shalt  }
0x4c: {  	_ =	shalt  }
0x4d: {  	_ =	shalt  }
0x4e: {  	_ =	shalt  }
0x4f: {  	_ =	shalt  }
0x50: {  	_ =	shalt  }
0x51: {  	_ =	shalt  }
0x52: {  	_ =	shalt  }
0x53: {  	_ =	shalt  }
0x54: {  	_ =	shalt  }
0x55: {  	_ =	shalt  }
0x56: {  	_ =	shalt  }
0x57: {  	_ =	shalt  }
0x58: {  	_ =	shalt  }
0x59: {  	_ =	shalt  }
0x5a: {  	_ =	shalt  }
0x5b: {  	_ =	shalt  }
0x5c: {  	_ =	shalt  }
0x5d: {  	_ =	shalt  }
0x5e: {  	_ =	shalt  }
0x5f: {  	_ =	shalt  }
0x60: {  	_ =	shalt  }
0x61: {  	_ =	shalt  }
0x62: {  	_ =	shalt  }
0x63: {  	_ =	shalt  }
0x64: {  	_ =	shalt  }
0x65: {  	_ =	shalt  }
0x66: {  	_ =	shalt  }
0x67: {  	_ =	shalt  }
0x68: {  	_ =	shalt  }
0x69: {  	_ =	shalt  }
0x6a: {  	_ =	shalt  }
0x6b: {  	_ =	shalt  }
0x6c: {  	_ =	shalt  }
0x6d: {  	_ =	shalt  }
0x6e: {  	_ =	shalt  }
0x6f: {  	_ =	shalt  }
0x70: {  	_ =	shalt  }
0x71: {  	_ =	shalt  }
0x72: {  	_ =	shalt  }
0x73: {  	_ =	shalt  }
0x74: {  	_ =	shalt  }
0x75: {  	_ =	shalt  }
0x76: {  	_ =	shalt  }
0x77: {  	_ =	shalt  }
0x78: {  	_ =	shalt  }
0x79: {  	_ =	shalt  }
0x7a: {  	_ =	shalt  }
0x7b: {  	_ =	shalt  }
0x7c: {  	_ =	shalt  }
0x7d: {  	_ =	shalt  }
0x7e: {  	_ =	shalt  }
0x7f: {  	_ =	shalt  }
0x80: {  	_ =	shalt  }
0x81: {  	_ =	shalt  }
0x82: {  	_ =	shalt  }
0x83: {  	_ =	shalt  }
0x84: {  	_ =	shalt  }
0x85: {  	_ =	shalt  }
0x86: {  	_ =	shalt  }
0x87: {  	_ =	shalt  }
.Lfunc_end0:
.L_simem_size_0:
called_computation_lowered:
.L_overlay_start_0:
0x88: {  	s2 =	sld [smem:$0x3FD9]  }
0x89: {  	s3 =	sld [smem:$0x3FFE];
	_ =	sdelay $0x1  }
0x8a: {  	s1 =	srdreg.scid  }
0x8b: {  	s0 =	sand.u32 $0x1, s1  }
0x8c: {  	s14 =	sshll.u32 s0, $0xA;
	s2 =	sadd.s32 s3, s2  }
0x8d: {  	s2 =	sadd.s32 s2, s14  }
0x8e: {  	[smem:$0x3FC6] =	sst s2  }
0x8f: {  	_ = 	snop  }
0x90: {  	s2 =	sld [smem:$0x3FD0];
	_ =	sdelay $0x2  }
0x91: {  	s15 =	simm.s32 $0xA;
	s4 =	simm.s32 $0x10  }
0x92: {  	[smem:s4], [sflag:s15] =	dma.local [hbm:s2], $0x1  }
0x93: {  	_ =	swait.eq [sflag:s15], $0x1  }
0x94: {  	[sflag:s15] =	ssyncset.done $0x0  }
0x95: {  	s16 =	sld [smem:$0x10];
	[sflag:s15] =	ssyncadd.s32 $0xFFFFFFFF  }
0x96: {  	s17 =	sld [smem:$0x11];
	(tm) =	ssettm $0x1  }
0x97: {  	s18 =	sld [smem:$0x3FFB];
	_ =	sdelay $0x3  }
0x98: {  	_ =	strace s18  }
0x99: {  	s4 =	sld [smem:$0x3FFC];
	_ =	sdelay $0x3  }
0x9a: {  	_ =	strace s4  }
0x9b: {  	s4 =	sld [smem:$0x3FFD];
	_ =	sdelay $0x3  }
0x9c: {  	_ =	strace s4  }
0x9d: {  	_ =	strace $0x8FFFFFFF  }
0x9e: {  	s19 =	sld [smem:$0x3FDB];
	_ =	sdelay $0x1  }
0x9f: {  	s5 =	simm.s32 $_scs_section_size  }
0xa0: {  	s6 =	simm.s32 $_size__tile_overlayer_lowered;
	s7 =	simm.s32 $_tile_overlayer_lowered  }
0xa1: {  	s22 =	simm.s32 $0x1BFF;
	s21 =	sshll.u32 s7, $0x1;
	s4 =	sadd.s32 s5, s19  }
0xa2: {  	s8 =	simm.s32 $0x0;
	s20 =	sshll.u32 s6, $0x1;
	s6 =	sadd.s32 s21, s4  }
0xa3: {  	[timem:s8], [sflag:s22] =	dma.local [hbm:s6], s20  }
0xa4: {  	_ =	swait.ge [sflag:s22], s20  }
0xa5: {  	s5 =	ssub.s32 $0x0, s20;
	[sflag:s22] =	ssyncset.done $0x0  }
0xa6: {  	[sflag:s22] =	ssyncadd.s32 s5;
	_ =	sdelay $0x1  }
0xa7: {  	s23 =	simm.s32 $0x1B8B  }
0xa8: {  	_ =	swait.ge [sflag:s23], $0x1  }
0xa9: {  	[sflag:s23] =	ssyncset.done $0x0  }
0xaa: {  	s25 =	simm.s32 $0x1B8E;
	s24 =	sld [smem:$0x3FFE];
	[sflag:s23] =	ssyncadd.s32 $0xFFFFFFFF  }
0xab: {  	s26 =	simm.s32 $execute0_lowered;
	[smem:$0x3FD2] =	sst s25  }
0xac: {  	s6 =	sshll.u32 s26, $0x1;
	_ =	strace $0x80000046;
	[dreg:$0x1] =	wrdreg $0xFFFFFFFF  }
0xad: {  	s28 =	simm.s32 $_size_execute0_lowered;
	s4 =	sadd.s32 s4, s6;
	[dreg:$0x0] =	wrdreg $0x0  }
0xae: {  	s6 =	sshll.u32 s28, $0x1;
	[dreg:$0x2] =	wrdreg s4  }
0xaf: {  	[dreg:$0x3] =	wrdreg s6  }
0xb0: {  	[dreg:$0x4] =	wrdreg $0xC0  }
0xb1: {  	_ =	task [dreg:s8], $0x5FFFF  }
0xb2: {  	[dreg:$0x1] =	wrdreg $0xFFFFFFFF  }
0xb3: {  	[dreg:$0x0] =	wrdreg $0x60  }
0xb4: {  	[dreg:$0x2] =	wrdreg s24  }
0xb5: {  	[dreg:$0x3] =	wrdreg s16  }
0xb6: {  	[dreg:$0x4] =	wrdreg s17  }
0xb7: {  	[dreg:$0x5] =	wrdreg $0x9  }
0xb8: {  	_ =	task.clear_ibuf [dreg:s8], $0x6FFFF;
	_ =	strace $0x90000046  }
0xb9: {  	s29 =	simm.s32 $0x9;
	_ =	strace $0x80000048  }
0xba: {  	_ =	swait.ge [sflag:s29], $0x1  }
0xbb: {  	[sflag:s29] =	ssyncadd.s32 $0xFFFFFFFF  }
0xbc: {  	_ =	strace $0x90000048  }
0xbd: {  	_ =	sfence  }
0xbe: {  	s30 =	sld [smem:$0x0];
	_ =	sdelay $0x2  }
0xbf: {  	s31 =	sshll.u32 s1, $0xD;
	s1 =	sshrl.u32 s1, $0x2  }
0xc0: {  	s3 =	sand.u32 $0x4000, s31;
	s1 =	sadd.s32 s1, s30  }
0xc1: {  	s0 =	sor.u32 s3, s0;
	s1 =	sshll.u32 s1, $0x11  }
0xc2: {  	s0 =	sor.u32 s1, s0  }
0xc3: {  	s0 =	sadd.s32 $0x8F2B, s0  }
0xc4: {  	[sflag:s0] =	ssyncadd.remote.s32 $0x1  }
0xc5: {  	_ =	sfence.sel $0xFFFF  }
0xc6: {  	[dreg:$0x0] =	wrdreg $0xFFFFFFFF;
	(pc) =	sbr.abs _section_cstart, $3  }
0xc7: {  	[dreg:$0x1] =	wrdreg $0xFFFFFFFF  }
0xc8: {  	_ =	task.clear_ibuf [dreg:s8], $0x2FFFF;
	_ =	strace $0x9FFFFFFF  }
0xc9: {  	(tm) =	ssettm $0x7FFFFFFF  }
tec
execute0_lowered:
.L_overlay_start_1:
0x0: {  	(tag) =	ssettag $0x1  }
0x1: {  	v0 =	vimm.s32 $0xBA98FEDC;
	v1 =	vimm.s32 $0x32107654  }
0x2: {  	v2 =	vimm.s32 $0xDCFE98BA;
	v3 =	vimm.s32 $0x54761032;
	v4 =	vimm.s32 $0xEFCDAB89  }
0x3: {  	v5 =	vimm.s32 $0x67452301;
	vm0 =	vcmask $0x1710;
	vm1 =	vcmask $0xF08  }
0x4: {  	vm2 =	vmmov $0x3;
	vm3 =	vmmov $0xff;
	v6 =	vimm.s32 $0xFEDCBA98  }
0x5: {  	v8 =	vimm.s32 $0x76543210;
	v0 =	vunpack.c.l.s4.s8 v0;
	v1 =	vunpack.c.l.s4.s8 v1  }
0x6: {  	v2 =	vunpack.c.l.s4.s8 v2;
	v3 =	vunpack.c.l.s4.s8 v3;
	v4 =	vunpack.c.l.s4.s8 v4  }
0x7: {  	s3 =	rddreg [dreg:$0x0];
	v5 =	vunpack.c.l.s4.s8 v5;
	v10 =	vunpack.c.l.s4.s8 v6;
	v6 =	vimm.s32 $0x1  }
0x8: {  	s4 =	rddreg [dreg:$0x1];
	v12 =	vunpack.c.l.s4.s8 v8;
	v8 =	vimm.s32 $0x2;
	v0 =	vunpack.c.0.s8.s32 v0  }
0x9: {  	s5 =	rddreg [dreg:$0x2];
	v1 =	vunpack.c.0.s8.s32 v1;
	v2 =	vunpack.c.0.s8.s32 v2;
	v3 =	vunpack.c.0.s8.s32 v3  }
0xa: {  	s0 =	rddreg [dreg:$0x3];
	s6 =	srdreg.scid;
	v4 =	vunpack.c.0.s8.s32 v4;
	v5 =	vunpack.c.0.s8.s32 v5;
	v14 =	vunpack.c.0.s8.s32 v10  }
0xb: {  	s1 =	stileid.u32;
	s2 =	simm.s32 $0x0;
	s9 =	simm.s32 $0x12000;
	v16 =	vunpack.c.0.s8.s32 v12;
	v0 =	vcombine.low v1, v0;
	v2 =	vcombine.low v3, v2  }
0xc: {  	s10 =	simm.s32 $0x0;
	s6 =	sand.u32 $0x1, s6;
	s7 =	sshll.u32 s1, $0x1;
	v3 =	vcombine.low v5, v4;
	v1 =	vlaneseq.u32;
	v5 =	vimm.s32 $0x0  }
0xd: {  	[smem:$0x7FF] =	sst s2;
	s7 =	sor.u32 s6, s7;
	s6 =	ssub.s32 $0x2, s6;
	v17 =	vand.u32 $0xF, v14;
	v4 =	vand.u32 $0x1, v1;
	v7 =	vshrl.u32 v1, $0x3  }
0xe: {  	_ =	strace $0x80000047;
	s8 =	sshll.u32 s7, $0xD;
	s31 =	sshrl.u32 s6, $0x1;
	v10 =	vor.u32 $0x10, v1;
	v12 =	vor.u32 $0x20, v1;
	v14 =	vor.u32 $0x30, v1  }
0xf: {  	s7 =	sshll.u32 s7, $0xA;
	s3 =	sadd.s32 s8, s3;
	s6 =	ssub.s32 s6, s31;
	v15 =	vand.u32 $0x7, v1;
	v16 =	vcombine.low v17, v16;
	v0 =	vand.u32 $0xF, v0  }
0x10: {  	s4 =	sadd.s32 s4, s7;
	s5 =	sadd.s32 s5, s7;
	s7 =	simm.s32 $0x1;
	v2 =	vand.u32 $0xF, v2;
	v3 =	vand.u32 $0xF, v3;
	v4 =	vmul.u32 $0x8, v4  }
0x11: {  	s8 =	simm.s32 $0x10000;
	s3 =	sadd.s32 $0xC00, s3;
	s6 =	smax.u32 s6, $0x1;
	v9 =	vor.u32 $0x2, v7;
	v11 =	vor.u32 $0x4, v7;
	v13 =	vor.u32 $0x6, v7  }
.LBB2_1:
0x12: {  	[tilespmem:s2], [sflag:$0x1] =	stream.linear.gather [hbm4b:s3+s2], $0x10000, $0x38;
	[tilespmem:$0x14000] =	vst v63  }
0x13: {  	_ =	swait.ge [sflag:s7], $0x10000  }
0x14: {  	[sflag:s7] =	ssyncset.done $0x0  }
0x15: {  	s11 =	simm.s32 $0x40;
	[sflag:s7] =	ssyncadd.s32 $0xFFFF0000  }
0x16: {  	v21 =	vld [tilespmem:s11+$0x0]  }
0x17: {  	v17 =	vld [tilespmem:s11+$0xFFFFFFF0]  }
0x18: {  	v19 =	vld [tilespmem:s11+$0x30]  }
0x19: {  	v20 =	vld [tilespmem:s11+$0x20]  }
0x1a: {  	v23 =	vld [tilespmem:s11+$0x10]  }
0x1b: {  	v18 =	vld [tilespmem:s11+$0xFFFFFFE0];
	_ =	sdelay $0x2  }
0x1c: {  	v22 =	vperm.xlane v21, v0;
	v24 =	vperm.xlane v17, v0  }
0x1d: {  	v27 =	vperm.xlane v20, v0;
	v29 =	vperm.xlane v23, v0  }
0x1e: {  	v31 =	vperm.xlane v18, v0;
	v25 =	vmax.f32 v21, v22;
	v22 =	vperm.xlane v19, v0  }
0x1f: {  	v24 =	vmax.f32 v17, v24;
	v27 =	vmax.f32 v20, v27;
	v29 =	vmax.f32 v23, v29  }
0x20: {  	v31 =	vmax.f32 v18, v31;
	v26 =	vperm.xlane v25, v2;
	v28 =	vperm.xlane v24, v2  }
0x21: {  	v43 =	vperm.xlane v27, v2;
	v34 =	vperm.xlane v29, v2;
	v30 =	vmax.f32 v19, v22  }
0x22: {  	v35 =	vperm.xlane v31, v2;
	v22 =	vld [tilespmem:s11+$0xFFFFFFD0];
	v32 =	vperm.xlane v30, v2;
	v28 =	vmax.f32 v24, v28  }
0x23: {  	v27 =	vmax.f32 v27, v43;
	v24 =	vld [tilespmem:s11+$0xFFFFFFC0];
	v29 =	vmax.f32 v29, v34;
	v25 =	vmax.f32 v25, v26  }
0x24: {  	v44 =	vperm.xlane v27, v3;
	v45 =	vperm.xlane v29, v3;
	v30 =	vmax.f32 v30, v32  }
0x25: {  	v31 =	vmax.f32 v31, v35;
	v33 =	vperm.xlane v28, v3;
	v32 =	vperm.xlane v30, v3  }
0x26: {  	v47 =	vperm.xlane v25, v3;
	v27 =	vmax.f32 v27, v44;
	v26 =	vmax.f32 v29, v45  }
0x27: {  	v46 =	vperm.xlane v22, v0;
	v27 =	vperm.xlane v27, v4;
	v30 =	vmax.f32 v30, v32  }
0x28: {  	v25 =	vmax.f32 v25, v47;
	v48 =	vperm.xlane v24, v0;
	v30 =	vperm.xlane v30, v4  }
0x29: {  	v26 =	vperm.xlane v26, v4;
	v25 =	vperm.xlane v25, v4;
	v32 =	vmax.f32 v22, v46  }
0x2a: {  	v49 =	vperm.xlane v32, v2;
	v50 =	vmax.f32 v24, v48;
	v27 =	vsel vm0, v27, v30  }
0x2b: {  	v52 =	vperm.xlane v31, v3;
	v51 =	vperm.xlane v50, v2;
	v26 =	vsel vm1, v26, v27  }
0x2c: {  	v28 =	vmax.f32 v28, v33;
	v29 =	vmax.f32 v32, v49;
	v25 =	vsel vm2, v25, v26  }
0x2d: {  	v53 =	vperm.xlane v29, v3;
	v27 =	vmax.f32 v50, v51;
	v25 =	vnsel vm3, $0xFF800000, v25  }
0x2e: {  	v54 =	vmax.f32 v31, v52;
	v55 =	vperm.xlane v27, v3;
	v25 =	vsub.f32 $0.0e+00, v25  }
0x2f: {  	v28 =	vperm.xlane v28, v4;
	v56 =	vperm.xlane v54, v4;
	v26 =	vmax.f32 v29, v53  }
0x30: {  	v26 =	vperm.xlane v26, v4;
	v57 =	vmax.f32 v27, v55;
	(xrf1) =	vsort.ascd.msk.f32 $0xffff, v25, v1  }
0x31: {  	v58 =	vsel vm0, v56, v28;
	v25 =	vperm.xlane v57, v4  }
0x32: {  	v26 =	vsel vm1, v26, v58  }
0x33: {  	v25 =	vsel vm2, v25, v26  }
0x34: {  	v25 =	vnsel vm3, $0xFF800000, v25  }
0x35: {  	v25 =	vsub.f32 $0.0e+00, v25;
	_ =	sdelay $0x1  }
0x36: {  	(xrf1) =	vsort.ascd.msk.f32 $0xffff, v25, v1;
	_ =	sdelay $0x4  }
0x37: {  	v59 =	vsub.f32 $0.0e+00, v17  }
0x38: {  	v60 =	vsub.f32 $0.0e+00, v20;
	v62 =	vsub.f32 $0.0e+00, v18  }
0x39: {  	v36 =	vsub.f32 $0.0e+00, v19;
	v44 =	vsub.f32 $0.0e+00, v21;
	v42, v43, _ =	vpop (xrf1)  }
0x3a: {  	v47 =	vsub.f32 $0.0e+00, v23;
	v45 =	vperm.xlane v43, v5;
	v46 =	vperm.xlane v43, v6  }
0x3b: {  	v61 =	vsub.f32 $0.0e+00, v22;
	v63 =	vsub.f32 $0.0e+00, v24;
	v31 =	vperm.xlane v43, v8  }
0x3c: {  	vm4 =	veq.s32 v45, v13;
	vm5 =	veq.s32 v46, v13;
	vm6 =	veq.s32 v46, v9  }
0x3d: {  	vm7 =	veq.s32 v46, v7;
	vm8 =	veq.s32 v31, v13;
	vm9 =	veq.s32 v31, v7  }
0x3e: {  	vm13 =	veq.s32 v31, v9;
	vm5 =	vmor vm4, vm5;
	vm4 =	veq.s32 v45, v7  }
0x3f: {  	vm7 =	vmor vm4, vm7;
	vm4 =	veq.s32 v45, v11;
	vm5 =	vmor vm5, vm8  }
0x40: {  	vm7 =	vmor vm7, vm9;
	v36 =	vnsel vm5, $0x7F800000, v36;
	vm5 =	veq.s32 v45, v9;
	v33, v37, _ =	vpop (xrf1)  }
0x41: {  	v32 =	vnsel vm7, $0x7F800000, v44;
	vm5 =	vmor vm5, vm6;
	v38 =	vperm.xlane v37, v5  }
0x42: {  	v39 =	vperm.xlane v37, v6;
	v37 =	vperm.xlane v37, v8;
	vm5 =	vmor vm5, vm13  }
0x43: {  	v35 =	vnsel vm5, $0x7F800000, v47;
	vm5 =	veq.s32 v31, v11;
	vm14 =	veq.s32 v38, v13  }
0x44: {  	vm15 =	veq.s32 v39, v13;
	vm12 =	veq.s32 v38, v11;
	vm13 =	veq.s32 v39, v11  }
0x45: {  	vm10 =	veq.s32 v39, v7;
	vm9 =	veq.s32 v37, v13;
	vm11 =	veq.s32 v38, v9  }
0x46: {  	(xrf1) =	vsort.ascd.msk.f32 $0xffff, v36, v14;
	vm6 =	vmor vm14, vm15;
	vm14 =	veq.s32 v38, v7;
	vm8 =	vmor vm12, vm13  }
0x47: {  	vm12 =	veq.s32 v39, v9;
	vm13 =	veq.s32 v46, v11;
	vm15 =	veq.s32 v37, v7  }
0x48: {  	(xrf1) =	vsort.ascd.msk.f32 $0xffff, v35, v10;
	vm7 =	vmor vm14, vm10;
	vm6 =	vmor vm6, vm9;
	vm9 =	veq.s32 v37, v11  }
0x49: {  	(xrf1) =	vsort.ascd.msk.f32 $0xffff, v32, v1;
	vm4 =	vmor vm4, vm13;
	vm8 =	vmor vm8, vm9;
	v25 =	vnsel vm6, $0x7F800000, v59  }
0x4a: {  	vm10 =	veq.s32 v37, v9;
	vm4 =	vmor vm4, vm5;
	v28 =	vnsel vm8, $0x7F800000, v62;
	(xrf1) =	vsort.ascd.msk.f32 $0xffff, v25, v14  }
0x4b: {  	vm5 =	vmor vm11, vm12;
	vm6 =	vmor vm7, vm15;
	v48 =	vnsel vm4, $0x7F800000, v60;
	(xrf1) =	vsort.ascd.msk.f32 $0xffff, v28, v12  }
0x4c: {  	vm4 =	vmor vm5, vm10;
	v49 =	vnsel vm6, $0x7F800000, v63;
	(xrf1) =	vsort.ascd.msk.f32 $0xffff, v48, v12  }
0x4d: {  	v50 =	vnsel vm4, $0x7F800000, v61;
	(xrf1) =	vsort.ascd.msk.f32 $0xffff, v49, v1  }
0x4e: {  	(xrf1) =	vsort.ascd.msk.f32 $0xffff, v50, v10;
	_ =	sdelay $0x6  }
0x4f: {  	v53 =	vsub.f32 $0.0e+00, v42;
	v52, v51, _ =	vpop (xrf1)  }
0x50: {  	v54, v55, _ =	vpop (xrf1)  }
0x51: {  	v27 =	vperm.xlane v53, v5;
	v57, v56, _ =	vpop (xrf1)  }
0x52: {  	v25 =	vsub.f32 $0.0e+00, v52;
	v59, v58, _ =	vpop (xrf1)  }
0x53: {  	v23 =	vsub.f32 v23, v27;
	v28 =	vsub.f32 $0.0e+00, v54;
	v29 =	vperm.xlane v55, v15;
	v61, v60, _ =	vpop (xrf1)  }
0x54: {  	v26 =	vperm.xlane v51, v15;
	v25 =	vperm.xlane v25, v15;
	v32 =	vsub.f32 $0.0e+00, v59;
	v63, v62, _ =	vpop (xrf1)  }
0x55: {  	v30 =	vsub.f32 $0.0e+00, v57;
	v28 =	vperm.xlane v28, v15;
	v29 =	vsel vm3, v56, v29;
	v44, v43, _ =	vpop (xrf1)  }
0x56: {  	v34 =	vperm.xlane v58, v15;
	v42 =	vsub.f32 $0.0e+00, v61;
	v32 =	vperm.xlane v32, v15;
	v47, v48, _ =	vpop (xrf1)  }
0x57: {  	v28 =	vsel vm3, v30, v28;
	v46 =	vsub.f32 $0.0e+00, v63;
	v49 =	vsub.f32 $0.0e+00, v47  }
0x58: {  	v28 =	vsub.f32 $0.0e+00, v28;
	v50 =	vsub.f32 $0.0e+00, v44;
	v30 =	vsel vm3, v42, v32  }
0x59: {  	v25 =	vsel vm3, v46, v25;
	v30 =	vsub.f32 $0.0e+00, v30;
	v51 =	vperm.xlane v49, v15  }
0x5a: {  	v45 =	vsel vm3, v60, v34;
	v26 =	vsel vm3, v62, v26;
	(xrf1) =	vsort.ascd.msk.f32 $0xffff, v28, v29;
	v25 =	vsub.f32 $0.0e+00, v25  }
0x5b: {  	v23 =	vmul.f32 $1.442695020e+00, v23;
	v52 =	vperm.xlane v48, v15;
	(xrf1) =	vsort.ascd.msk.f32 $0xffff, v30, v45;
	v53 =	vsel vm3, v50, v51  }
0x5c: {  	v21 =	vsub.f32 v21, v27;
	(xrf1) =	vsort.ascd.msk.f32 $0xffff, v25, v26;
	v25 =	vsub.f32 $0.0e+00, v53  }
0x5d: {  	(erf) = vpow2.f32 v23;
	v54 =	vsub.f32 $0.0e+00, v33;
	v23 =	vsel vm3, v43, v52  }
0x5e: {  	v20 =	vsub.f32 v20, v27;
	(xrf1) =	vsort.ascd.msk.f32 $0xffff, v25, v23  }
0x5f: {  	v21 =	vmul.f32 $1.442695020e+00, v21;
	v23 =	vperm.xlane v54, v5  }
0x60: {  	v19 =	vsub.f32 v19, v27;
	v20 =	vmul.f32 $1.442695020e+00, v20  }
0x61: {  	(erf) = vpow2.f32 v21;
	v21 =	vsub.f32 v24, v23  }
0x62: {  	v19 =	vmul.f32 $1.442695020e+00, v19;
	(erf) = vpow2.f32 v20;
	v20 =	vsub.f32 v22, v23  }
0x63: {  	v21 =	vmul.f32 $1.442695020e+00, v21  }
0x64: {  	(erf) = vpow2.f32 v19;
	v18 =	vsub.f32 v18, v23;
	v19 =	vmul.f32 $1.442695020e+00, v20;
	_ =	sdelay $0x1  }
0x65: {  	v18 =	vmul.f32 $1.442695020e+00, v18;
	(erf) = vpow2.f32 v21  }
0x66: {  	v17 =	vsub.f32 v17, v23;
	v20 =	vpop (erf);
	(erf) = vpow2.f32 v19  }
0x67: {  	v19, v21, _ =	vpop (xrf1)  }
0x68: {  	v17 =	vmul.f32 $1.442695020e+00, v17;
	(erf) = vpow2.f32 v18;
	v22, v55, _ =	vpop (xrf1)  }
0x69: {  	v19 =	vsub.f32 $0.0e+00, v19;
	v18, v56, _ =	vpop (xrf1)  }
0x6a: {  	v57 =	vpop (erf);
	(erf) = vpow2.f32 v17;
	v22 =	vsub.f32 $0.0e+00, v22;
	v18 =	vsub.f32 $0.0e+00, v18  }
0x6b: {  	v20 =	vadd.f32 v20, v57;
	v59, v58, _ =	vpop (xrf1)  }
0x6c: {  	v17 =	vpop (erf);
	v22 =	vperm.xlane v22, v15;
	v18 =	vperm.xlane v18, v15;
	v26 =	vsub.f32 $0.0e+00, v59  }
0x6d: {  	v60 =	vpop (erf);
	v17 =	vadd.f32 v20, v17  }
0x6e: {  	v20 =	vperm.xlane v56, v15;
	v18 =	vsel vm3, v19, v18;
	v19 =	vpop (erf);
	v22 =	vsel vm3, v26, v22  }
0x6f: {  	v24 =	vperm.xlane v55, v15;
	v18 =	vsub.f32 $0.0e+00, v18;
	v61 =	vpop (erf)  }
0x70: {  	v20 =	vsel vm3, v21, v20;
	v19 =	vadd.f32 v61, v19;
	v21 =	vsub.f32 $0.0e+00, v22  }
0x71: {  	v17 =	vadd.f32 v17, v60;
	(xrf1) =	vsort.ascd.msk.f32 $0xffff, v18, v20;
	v18 =	vsel vm3, v58, v24;
	v22 =	vpop (erf)  }
0x72: {  	(xrf1) =	vsort.ascd.msk.f32 $0xffff, v21, v18;
	v19 =	vadd.f32 v19, v22  }
0x73: {  	v18 =	vperm.xlane v17, v16;
	v20 =	vpop (erf)  }
0x74: {  	v19 =	vadd.f32 v19, v20  }
0x75: {  	v17 =	vadd.f32 v18, v17  }
0x76: {  	v18 =	vperm.xlane v19, v16  }
0x77: {  	v20 =	vperm.xlane v17, v0  }
0x78: {  	v18 =	vadd.f32 v18, v19  }
0x79: {  	v17 =	vadd.f32 v20, v17  }
0x7a: {  	v19 =	vperm.xlane v18, v0  }
0x7b: {  	v20 =	vperm.xlane v17, v2  }
0x7c: {  	v18 =	vadd.f32 v19, v18  }
0x7d: {  	v17 =	vadd.f32 v20, v17  }
0x7e: {  	v19 =	vperm.xlane v18, v2  }
0x7f: {  	v20 =	vperm.xlane v17, v3;
	v21, v22, _ =	vpop (xrf1)  }
0x80: {  	v62 =	vperm.xlane v22, v15;
	v19 =	vadd.f32 v19, v18;
	v18 =	vsub.f32 $0.0e+00, v21;
	v21, v63, _ =	vpop (xrf1)  }
0x81: {  	v17 =	vadd.f32 v20, v17;
	v22 =	vsub.f32 $0.0e+00, v21  }
0x82: {  	s13 =	simm.s32 $0x40;
	s12 =	simm.s32 $0x0;
	v20 =	vperm.xlane v19, v3;
	v21 =	vsub.f32 v18, v27;
	v18 =	vsel vm3, v63, v62  }
.LBB2_2:
0x83: {  	p0 =	sne.s32 s13, $0x7FC0  }
0x84: {  	s11 =	sadd.s32 $0x80, s11;
	s14 =	smov.u32 s13;
	s13 =	sadd.s32 $0x40, s13  }
0x85: {  	v22 =	vsub.f32 v22, v23;
	v21 =	vmul.f32 $1.442695020e+00, v21  }
0x86: {  	(erf) = vrcp.f32 v17  }
0x87: {  	v17 =	vadd.f32 v20, v19;
	v19 =	vmul.f32 $1.442695020e+00, v22;
	(erf) = vpow2.f32 v21;
	_ =	sdelay $0x1  }
0x88: {  	(erf) = vpow2.f32 v19  }
0x89: {  	(erf) = vrcp.f32 v17;
	_ =	sdelay $0x4  }
0x8a: {  	v17 =	vpop (erf)  }
0x8b: {  	v19 =	vpop (erf)  }
0x8c: {  	v17 =	vmul.f32 v19, v17  }
0x8d: {  	v19 =	vpop (erf)  }
0x8e: {  	v17 =	vperm.xlane v17, v15;
	v20 =	vpop (erf)  }
0x8f: {  	v19 =	vmul.f32 v19, v20  }
0x90: {  	s15 =	sshra.s32 s12, $0x2;
	s12 =	smov.u32 s14  }
0x91: {  	[tilespmem:s15+$0x10000] =	vst v18;
	v17 =	vsel vm3, v19, v17  }
0x92: {  	[tilespmem:s15+$0x12000] =	vst v17  }
0x93: {  	v23 =	vld [tilespmem:s11+$0x0]  }
0x94: {  	v17 =	vld [tilespmem:s11+$0xFFFFFFF0]  }
0x95: {  	v22 =	vld [tilespmem:s11+$0x30]  }
0x96: {  	v24 =	vld [tilespmem:s11+$0x20]  }
0x97: {  	v25 =	vld [tilespmem:s11+$0x10]  }
0x98: {  	v18 =	vld [tilespmem:s11+$0xFFFFFFE0];
	v19 =	vperm.xlane v23, v0  }
0x99: {  	v20 =	vperm.xlane v17, v0  }
0x9a: {  	v21 =	vmax.f32 v23, v19;
	v26 =	vperm.xlane v22, v0  }
0x9b: {  	v20 =	vmax.f32 v17, v20;
	v27 =	vperm.xlane v21, v2;
	v28 =	vperm.xlane v24, v0  }
0x9c: {  	v19 =	vld [tilespmem:s11+$0xFFFFFFD0];
	v29 =	vperm.xlane v20, v2;
	v30 =	vperm.xlane v25, v0;
	v26 =	vmax.f32 v22, v26  }
0x9d: {  	v31 =	vperm.xlane v18, v0;
	v28 =	vmax.f32 v24, v28;
	v32 =	vperm.xlane v26, v2  }
0x9e: {  	v29 =	vmax.f32 v20, v29;
	v30 =	vmax.f32 v25, v30;
	v20 =	vperm.xlane v28, v2  }
0x9f: {  	v33 =	vperm.xlane v29, v3;
	v34 =	vperm.xlane v30, v2;
	v26 =	vmax.f32 v26, v32  }
0xa0: {  	v31 =	vmax.f32 v18, v31;
	v28 =	vmax.f32 v28, v20;
	v32 =	vperm.xlane v26, v3  }
0xa1: {  	v35 =	vperm.xlane v31, v2;
	v20 =	vld [tilespmem:s11+$0xFFFFFFC0];
	v30 =	vmax.f32 v30, v34;
	v34 =	vperm.xlane v28, v3  }
0xa2: {  	v21 =	vmax.f32 v21, v27;
	v27 =	vperm.xlane v30, v3;
	v26 =	vmax.f32 v26, v32  }
0xa3: {  	v32 =	vperm.xlane v19, v0;
	v28 =	vmax.f32 v28, v34;
	v26 =	vperm.xlane v26, v4  }
0xa4: {  	v29 =	vmax.f32 v29, v33;
	v27 =	vmax.f32 v30, v27;
	v28 =	vperm.xlane v28, v4  }
0xa5: {  	v30 =	vmax.f32 v31, v35;
	v31 =	vperm.xlane v21, v3;
	v27 =	vperm.xlane v27, v4  }
0xa6: {  	v29 =	vperm.xlane v29, v4;
	v32 =	vmax.f32 v19, v32;
	v26 =	vsel vm0, v28, v26  }
0xa7: {  	v28 =	vperm.xlane v32, v2;
	v21 =	vmax.f32 v21, v31;
	v26 =	vsel vm1, v27, v26  }
0xa8: {  	v27 =	vperm.xlane v30, v3;
	v21 =	vperm.xlane v21, v4  }
0xa9: {  	v31 =	vperm.xlane v20, v0  }
0xaa: {  	v28 =	vmax.f32 v32, v28;
	v27 =	vmax.f32 v30, v27;
	v21 =	vsel vm2, v21, v26  }
0xab: {  	v26 =	vmax.f32 v20, v31;
	v30 =	vperm.xlane v28, v3;
	v21 =	vnsel vm3, $0xFF800000, v21  }
0xac: {  	v31 =	vperm.xlane v26, v2;
	v21 =	vsub.f32 $0.0e+00, v21  }
0xad: {  	v28 =	vmax.f32 v28, v30  }
0xae: {  	v26 =	vmax.f32 v26, v31;
	v28 =	vperm.xlane v28, v4;
	(xrf1) =	vsort.ascd.msk.f32 $0xffff, v21, v1  }
0xaf: {  	v21 =	vperm.xlane v26, v3  }
0xb0: {  	v27 =	vperm.xlane v27, v4  }
0xb1: {  	v21 =	vmax.f32 v26, v21  }
0xb2: {  	v26 =	vsel vm0, v27, v29;
	v21 =	vperm.xlane v21, v4  }
0xb3: {  	v26 =	vsel vm1, v28, v26  }
0xb4: {  	v21 =	vsel vm2, v21, v26  }
0xb5: {  	v21 =	vnsel vm3, $0xFF800000, v21  }
0xb6: {  	v21 =	vsub.f32 $0.0e+00, v21;
	_ =	sdelay $0x1  }
0xb7: {  	(xrf1) =	vsort.ascd.msk.f32 $0xffff, v21, v1;
	_ =	sdelay $0x1  }
0xb8: {  	v27 =	vsub.f32 $0.0e+00, v24;
	v26 =	vsub.f32 $0.0e+00, v17  }
0xb9: {  	v29 =	vsub.f32 $0.0e+00, v18;
	v28 =	vsub.f32 $0.0e+00, v19  }
0xba: {  	v30 =	vsub.f32 $0.0e+00, v20;
	v31 =	vsub.f32 $0.0e+00, v23;
	v21, v32, _ =	vpop (xrf1)  }
0xbb: {  	v21 =	vsub.f32 $0.0e+00, v21;
	v33 =	vperm.xlane v32, v5;
	v34 =	vperm.xlane v32, v6  }
0xbc: {  	v36 =	vsub.f32 $0.0e+00, v22;
	v35 =	vsub.f32 $0.0e+00, v25;
	v32 =	vperm.xlane v32, v8  }
0xbd: {  	v21 =	vperm.xlane v21, v5;
	vm4 =	veq.s32 v33, v13;
	vm5 =	veq.s32 v34, v13  }
0xbe: {  	vm6 =	veq.s32 v34, v9;
	vm7 =	veq.s32 v32, v13;
	vm5 =	vmor vm4, vm5  }
0xbf: {  	vm4 =	veq.s32 v33, v11;
	vm5 =	vmor vm5, vm7;
	v25 =	vsub.f32 v25, v21  }
0xc0: {  	vm8 =	veq.s32 v34, v7;
	vm7 =	veq.s32 v33, v7;
	v36 =	vnsel vm5, $0x7F800000, v36  }
0xc1: {  	v37 =	vsub.f32 v23, v21;
	vm5 =	vmor vm7, vm8;
	vm7 =	veq.s32 v32, v7;
	(xrf1) =	vsort.ascd.msk.f32 $0xffff, v36, v14  }
0xc2: {  	v24 =	vsub.f32 v24, v21;
	vm5 =	vmor vm5, vm7;
	v25 =	vmul.f32 $1.442695020e+00, v25  }
0xc3: {  	v31 =	vnsel vm5, $0x7F800000, v31;
	vm5 =	veq.s32 v33, v9;
	v33 =	vmul.f32 $1.442695020e+00, v37  }
0xc4: {  	v24 =	vmul.f32 $1.442695020e+00, v24;
	vm5 =	vmor vm5, vm6;
	vm6 =	veq.s32 v32, v9;
	v23, v36, _ =	vpop (xrf1)  }
0xc5: {  	vm5 =	vmor vm5, vm6;
	v37 =	vperm.xlane v36, v5;
	v38 =	vperm.xlane v36, v6  }
0xc6: {  	v36 =	vperm.xlane v36, v8;
	v35 =	vnsel vm5, $0x7F800000, v35;
	vm5 =	veq.s32 v32, v11  }
0xc7: {  	vm6 =	veq.s32 v37, v13;
	vm7 =	veq.s32 v38, v13;
	(xrf1) =	vsort.ascd.msk.f32 $0xffff, v35, v10;
	(erf) = vpow2.f32 v25  }
0xc8: {  	vm8 =	veq.s32 v37, v11;
	vm9 =	veq.s32 v38, v11;
	vm6 =	vmor vm6, vm7  }
0xc9: {  	vm10 =	veq.s32 v36, v13;
	vm7 =	veq.s32 v37, v7;
	(xrf1) =	vsort.ascd.msk.f32 $0xffff, v31, v1;
	(erf) = vpow2.f32 v33  }
0xca: {  	vm11 =	veq.s32 v38, v7;
	vm12 =	veq.s32 v36, v9;
	vm8 =	vmor vm8, vm9  }
0xcb: {  	vm9 =	veq.s32 v37, v9;
	vm7 =	vmor vm7, vm11;
	vm11 =	veq.s32 v38, v9  }
0xcc: {  	vm13 =	veq.s32 v36, v7;
	vm9 =	vmor vm9, vm11;
	vm11 =	veq.s32 v36, v11  }
0xcd: {  	vm6 =	vmor vm6, vm10;
	vm9 =	vmor vm9, vm12;
	vm8 =	vmor vm8, vm11  }
0xce: {  	v32 =	vnsel vm6, $0x7F800000, v26;
	vm6 =	veq.s32 v34, v11;
	v25 =	vnsel vm9, $0x7F800000, v28  }
0xcf: {  	vm7 =	vmor vm7, vm13;
	vm4 =	vmor vm4, vm6;
	v28 =	vnsel vm8, $0x7F800000, v29;
	(xrf1) =	vsort.ascd.msk.f32 $0xffff, v32, v14;
	v26, v29, _ =	vpop (xrf1)  }
0xd0: {  	vm4 =	vmor vm4, vm5;
	v26 =	vsub.f32 $0.0e+00, v26;
	v29 =	vperm.xlane v29, v15;
	v31 =	vpop (erf)  }
0xd1: {  	v22 =	vsub.f32 v22, v21;
	v32 =	vnsel vm4, $0x7F800000, v27;
	(xrf1) =	vsort.ascd.msk.f32 $0xffff, v28, v12  }
0xd2: {  	v28 =	vnsel vm7, $0x7F800000, v30;
	v26 =	vperm.xlane v26, v15;
	(xrf1) =	vsort.ascd.msk.f32 $0xffff, v32, v12;
	v27 =	vpop (erf);
	(erf) = vpow2.f32 v24  }
0xd3: {  	v22 =	vmul.f32 $1.442695020e+00, v22;
	(xrf1) =	vsort.ascd.msk.f32 $0xffff, v28, v1  }
0xd4: {  	(xrf1) =	vsort.ascd.msk.f32 $0xffff, v25, v10  }
0xd5: {  	v24, v25, _ =	vpop (xrf1);
	(erf) = vpow2.f32 v22  }
0xd6: {  	v22 =	vsub.f32 $0.0e+00, v24;
	v24 =	vperm.xlane v25, v15  }
0xd7: {  	v25, v28, _ =	vpop (xrf1)  }
0xd8: {  	v25 =	vsub.f32 $0.0e+00, v25;
	v22 =	vperm.xlane v22, v15;
	_ =	sdelay $0x1  }
0xd9: {  	v22 =	vsel vm3, v25, v22;
	v25 =	vadd.f32 v31, v27  }
0xda: {  	v22 =	vsub.f32 $0.0e+00, v22;
	v27 =	vpop (erf)  }
0xdb: {  	v24 =	vsel vm3, v28, v24;
	v25 =	vadd.f32 v25, v27  }
0xdc: {  	v27, v28, _ =	vpop (xrf1);
	(xrf1) =	vsort.ascd.msk.f32 $0xffff, v22, v24  }
0xdd: {  	v22 =	vsub.f32 $0.0e+00, v27;
	v24 =	vperm.xlane v28, v15;
	v27 =	vpop (erf)  }
0xde: {  	v25 =	vadd.f32 v25, v27;
	v27, v28, _ =	vpop (xrf1)  }
0xdf: {  	v35 =	vsub.f32 $0.0e+00, v27;
	v22 =	vperm.xlane v22, v15;
	v24 =	vsel vm3, v28, v24;
	v28, v30, _ =	vpop (xrf1)  }
0xe0: {  	v28 =	vsub.f32 $0.0e+00, v28;
	v31 =	vperm.xlane v25, v16;
	v32, v33, _ =	vpop (xrf1)  }
0xe1: {  	v32 =	vsub.f32 $0.0e+00, v32;
	v22 =	vsel vm3, v35, v22;
	v27, v34, _ =	vpop (xrf1)  }
0xe2: {  	v27 =	vsub.f32 $0.0e+00, v27;
	v22 =	vsub.f32 $0.0e+00, v22;
	v26 =	vsel vm3, v28, v26  }
0xe3: {  	v29 =	vsel vm3, v30, v29;
	v28 =	vperm.xlane v34, v15;
	v26 =	vsub.f32 $0.0e+00, v26  }
0xe4: {  	v25 =	vadd.f32 v31, v25;
	v27 =	vperm.xlane v27, v15;
	(xrf1) =	vsort.ascd.msk.f32 $0xffff, v22, v24  }
0xe5: {  	v22 =	vsel vm3, v33, v28;
	(xrf1) =	vsort.ascd.msk.f32 $0xffff, v26, v29  }
0xe6: {  	v28 =	vperm.xlane v25, v0;
	v24 =	vsel vm3, v32, v27  }
0xe7: {  	v23 =	vsub.f32 $0.0e+00, v23;
	v27 =	vsub.f32 $0.0e+00, v24  }
0xe8: {  	v25 =	vadd.f32 v28, v25  }
0xe9: {  	v23 =	vperm.xlane v23, v5;
	(xrf1) =	vsort.ascd.msk.f32 $0xffff, v27, v22  }
0xea: {  	v22 =	vperm.xlane v25, v2;
	v24, v26, _ =	vpop (xrf1)  }
0xeb: {  	v20 =	vsub.f32 v20, v23;
	v19 =	vsub.f32 v19, v23  }
0xec: {  	v18 =	vsub.f32 v18, v23;
	v22 =	vadd.f32 v22, v25  }
0xed: {  	v17 =	vsub.f32 v17, v23;
	v20 =	vmul.f32 $1.442695020e+00, v20;
	v19 =	vmul.f32 $1.442695020e+00, v19  }
0xee: {  	v25 =	vperm.xlane v22, v3  }
0xef: {  	v18 =	vmul.f32 $1.442695020e+00, v18;
	(erf) = vpow2.f32 v20  }
0xf0: {  	v20 =	vmul.f32 $1.442695020e+00, v17;
	v17 =	vadd.f32 v25, v22;
	(erf) = vpow2.f32 v19;
	_ =	sdelay $0x1  }
0xf1: {  	v19, v22, _ =	vpop (xrf1);
	(erf) = vpow2.f32 v18  }
0xf2: {  	v18 =	vsub.f32 $0.0e+00, v19;
	v19, v25, _ =	vpop (xrf1)  }
0xf3: {  	v19 =	vsub.f32 $0.0e+00, v19;
	v27 =	vperm.xlane v25, v15;
	(erf) = vpow2.f32 v20;
	_ =	sdelay $0x1  }
0xf4: {  	v28 =	vsub.f32 $0.0e+00, v24;
	v19 =	vperm.xlane v19, v15;
	v24 =	vsel vm3, v26, v27  }
0xf5: {  	v25, v26, _ =	vpop (xrf1)  }
0xf6: {  	v25 =	vsub.f32 $0.0e+00, v25  }
0xf7: {  	v18 =	vperm.xlane v18, v15;
	v19 =	vsel vm3, v28, v19;
	v20 =	vpop (erf)  }
0xf8: {  	v19 =	vsub.f32 $0.0e+00, v19;
	v27 =	vpop (erf)  }
0xf9: {  	v22 =	vperm.xlane v22, v15;
	v18 =	vsel vm3, v25, v18;
	v20 =	vadd.f32 v27, v20  }
0xfa: {  	v27 =	vsub.f32 $0.0e+00, v18;
	(xrf1) =	vsort.ascd.msk.f32 $0xffff, v19, v24;
	v25 =	vpop (erf)  }
0xfb: {  	v19 =	vsel vm3, v26, v22;
	v20 =	vadd.f32 v20, v25  }
0xfc: {  	(xrf1) =	vsort.ascd.msk.f32 $0xffff, v27, v19;
	v18 =	vpop (erf)  }
0xfd: {  	v18 =	vadd.f32 v20, v18;
	_ =	sdelay $0x1  }
0xfe: {  	v19 =	vperm.xlane v18, v16;
	_ =	sdelay $0x1  }
0xff: {  	v18 =	vadd.f32 v19, v18;
	_ =	sdelay $0x1  }
0x100: {  	v19 =	vperm.xlane v18, v0;
	_ =	sdelay $0x1  }
0x101: {  	v18 =	vadd.f32 v19, v18;
	_ =	sdelay $0x1  }
0x102: {  	v19 =	vperm.xlane v18, v2  }
.Ltmp0:
0x103: {  	v20, v22, _ =	vpop (xrf1);
	(pc) =	sbr.rel @p0 .LBB2_2-.Ltmp0, $4  }
0x104: {  	v19 =	vadd.f32 v19, v18;
	v18 =	vsub.f32 $0.0e+00, v20;
	v24 =	vperm.xlane v22, v15  }
0x105: {  	v20, v25, _ =	vpop (xrf1)  }
0x106: {  	v22 =	vsub.f32 $0.0e+00, v20;
	v20 =	vperm.xlane v19, v3;
	v21 =	vsub.f32 v18, v21  }
0x107: {  	v18 =	vsel vm3, v25, v24  }
0x108: {  	v22 =	vsub.f32 v22, v23  }
0x109: {  	v21 =	vmul.f32 $1.442695020e+00, v21  }
0x10a: {  	(erf) = vrcp.f32 v17;
	v17 =	vmul.f32 $1.442695020e+00, v22  }
0x10b: {  	v19 =	vadd.f32 v20, v19;
	(erf) = vpow2.f32 v21  }
0x10c: {  	(erf) = vpow2.f32 v17  }
0x10d: {  	(erf) = vrcp.f32 v19;
	_ =	sdelay $0x5  }
0x10e: {  	v17 =	vpop (erf)  }
0x10f: {  	v19 =	vpop (erf)  }
0x110: {  	v17 =	vmul.f32 v19, v17;
	v19 =	vpop (erf)  }
0x111: {  	v63 =	vpop (erf)  }
0x112: {  	v17 =	vperm.xlane v17, v15;
	v19 =	vmul.f32 v19, v63  }
0x113: {  	s11 =	sshra.s32 s12, $0x2  }
0x114: {  	[tilespmem:s11+$0x10000] =	vst v18;
	v17 =	vsel vm3, v19, v17  }
0x115: {  	[tilespmem:s11+$0x12000] =	vst v17  }
0x116: {  	[hbm4b:s4+s2] =	stream.linear.scatter [tilespmem:s8], [sflag:$0x1], $0x2000, $0x38;
	[tilespmem:$0x14000] =	vst v63  }
0x117: {  	s10 =	sadd.s32 $0x1, s10;
	_ =	swait.ge [sflag:s7], $0x2000  }
0x118: {  	p0 =	sne.s32 s10, s6;
	[sflag:s7] =	ssyncset.done $0x0  }
.Ltmp1:
0x119: {  	[sflag:s7] =	ssyncadd.s32 $0xFFFFE000;
	(pc) =	sbr.rel @p0 .LBB2_1-.Ltmp1, $4  }
0x11a: {  	[hbm4b:s5+s2] =	stream.linear.scatter [tilespmem:s9], [sflag:$0x1], $0x2000, $0x38;
	[tilespmem:$0x14000] =	vst v63  }
0x11b: {  	_ =	swait.ge [sflag:s7], $0x2000  }
0x11c: {  	[sflag:s7] =	ssyncset.done $0x0  }
0x11d: {  	[sflag:s7] =	ssyncadd.s32 $0xFFFFE000  }
0x11e: {  	_ =	sfence.sel $0x180000  }
0x11f: {  	[bflag:$0x0] =	sbarrier.arrive $0xFFFF  }
0x120: {  	p0 =	sne.s32 s1, $0x0;
	_ =	strace $0x90000047  }
0x121: {  	s0 =	sadd.s32 @!p0 $0x100000, s0;
	[bflag:$0x2] =	sbarrier.arrive $0xFFFF  }
0x122: {  	[sflag:s0] =	ssyncadd.tile.s32 @!p0 $0x1;
	_ =	shalt  }
.Lfunc_end2:
_tile_overlayer_lowered:
.L_overlay_start_2:
0x123: {  	(tag) =	ssettag $0x2  }
0x124: {  	s0 =	rddreg [dreg:$0x0];
	s2 =	stileid.u32  }
0x125: {  	s1 =	rddreg [dreg:$0x1];
	p0 =	sne.s32 s2, $0x0  }
0x126: {  	s3 =	rddreg [dreg:$0x2];
	[bflag:$0x3] =	sbarrier.arrive $0xFFFF;
	s2 =	simm.s32 @!p0 $0x1C01  }
0x127: {  	[timem:s3], [sflag:s2] =	dma.local @!p0 [hbm:s0], s1  }
0x128: {  	s0 =	simm.s32 @!p0 $0x1  }
0x129: {  	_ =	swait.ge @!p0 [sflag:s0], s1  }
0x12a: {  	s1 =	ssub.s32 @!p0 $0x0, s1;
	[sflag:s0] =	ssyncset.done @!p0 $0x0  }
0x12b: {  	[sflag:s0] =	ssyncadd.s32 @!p0 s1  }
0x12c: {  	[bflag:$0x3] =	sbarrier.arrive $0xFFFF  }
0x12d: {  	_ =	shalt  }

</sc_bundles>
